<compile_context>
chip_gen: v7x
topology: tpu7x:2x2x1
jax: 0.10.2.dev20260603
libtpu: 0.0.44.dev20260713+nightly
codegen_flags: <defaults>
</compile_context>

<pallas_src>
import functools

import jax
import jax.numpy as jnp
from jax import lax
from jax.experimental import pallas as pl
from jax.experimental.pallas import tpu as pltpu
from jax.experimental.pallas import tpu_sc as plsc

NC = 2
NS = 16
LANES = 128
FRAC0 = 0.50


def _sc_aggregate(nacc, e, ta, tb, x, edges, zacc, zcnt, ones):
    n, d = x.shape
    rows_per_tile = nacc // NS
    q0, r0 = divmod(ta, NS)
    q1, r1 = divmod(tb, NS)
    assert q0 >= 2 and q1 >= 2
    mesh = plsc.VectorSubcoreMesh(core_axis_name="c", subcore_axis_name="s")

    @functools.partial(
        pl.kernel,
        out_type=(
            jax.ShapeDtypeStruct((NC, nacc, d), jnp.float32),
            jax.ShapeDtypeStruct((NC * nacc,), jnp.float32),
        ),
        mesh=mesh,
        scratch_types=[
            pltpu.VMEM((2, LANES), jnp.int32),
            pltpu.VMEM((2, LANES), jnp.int32),
            pltpu.VMEM((2, LANES, d), jnp.float32),
            pltpu.VMEM((LANES,), jnp.float32),
            pltpu.VMEM_SHARED((nacc, d), jnp.float32),
            pltpu.VMEM_SHARED((nacc,), jnp.float32),
            pltpu.SemaphoreType.DMA,
            pltpu.SemaphoreType.DMA,
        ],
    )
    def agg(x_hbm, edges_hbm, zacc_hbm, zcnt_hbm, ones_hbm,
            sum_out, cnt_out, idxc, idxr, gbuf, onesbuf, acc_sh, cnt_sh,
            sem0, sem1):
        c = lax.axis_index("c")
        s = lax.axis_index("s")
        start_chunk = lax.select(
            c == 0,
            s * q0 + jnp.minimum(s, r0),
            ta + s * q1 + jnp.minimum(s, r1))
        mychunks = lax.select(
            c == 0,
            q0 + jnp.where(s < r0, 1, 0),
            q1 + jnp.where(s < r1, 1, 0))
        r_0 = s * rows_per_tile
        sems = (sem0, sem1)
        pltpu.sync_copy(zacc_hbm.at[pl.ds(r_0, rows_per_tile)],
                        acc_sh.at[pl.ds(r_0, rows_per_tile)])
        pltpu.sync_copy(zcnt_hbm.at[pl.ds(r_0, rows_per_tile)],
                        cnt_sh.at[pl.ds(r_0, rows_per_tile)])
        pltpu.sync_copy(ones_hbm, onesbuf)
        plsc.subcore_barrier()

        def issue(k, i):
            base = (start_chunk + i) * LANES
            pltpu.sync_copy(edges_hbm.at[pl.ds(e + base, LANES)], idxc.at[k])
            pltpu.sync_copy(edges_hbm.at[pl.ds(base, LANES)], idxr.at[k])
            pltpu.async_copy(x_hbm.at[idxc.at[k]], gbuf.at[k], sems[k])

        def process(k, i):
            pltpu.make_async_copy(x_hbm.at[pl.ds(0, LANES)], gbuf.at[k],
                                  sems[k]).wait()
            pltpu.sync_copy(gbuf.at[k], acc_sh.at[idxr.at[k]], add=True)
            pltpu.sync_copy(onesbuf, cnt_sh.at[idxr.at[k]], add=True)

            @pl.when(i + 2 < mychunks)
            def _():
                issue(k, i + 2)

        issue(0, 0)
        issue(1, 1)

        def step(i, carry):
            @pl.when(i % 2 == 0)
            def _():
                process(0, i)

            @pl.when(i % 2 != 0)
            def _():
                process(1, i)

            return carry

        lax.fori_loop(0, mychunks, step, 0)
        plsc.subcore_barrier()
        pltpu.sync_copy(acc_sh.at[pl.ds(r_0, rows_per_tile)],
                        sum_out.at[c, pl.ds(r_0, rows_per_tile)])
        pltpu.sync_copy(cnt_sh.at[pl.ds(r_0, rows_per_tile)],
                        cnt_out.at[pl.ds(c * nacc + r_0, rows_per_tile)])

    return agg(x, edges, zacc, zcnt, ones)


def _tc_body(x_ref, sums_ref, cnt0_ref, cnt1_ref, wt_ref, b_ref, o_ref):
    s = sums_ref[0] + sums_ref[1]
    cnt = cnt0_ref[...] + cnt1_ref[...]
    mean = s / (cnt + 1e-9)
    d = x_ref.shape[1]
    out = (jnp.dot(x_ref[...], wt_ref[pl.ds(0, d)],
                   preferred_element_type=jnp.float32)
           + jnp.dot(mean, wt_ref[pl.ds(d, d)],
                     preferred_element_type=jnp.float32)
           + b_ref[...])
    o_ref[...] = jnp.maximum(out, 0.0)


def kernel(x, edge_index, W, b):
    n, d = x.shape
    e = edge_index.shape[1]
    nacc = ((n + 1 + NS * 16 - 1) // (NS * 16)) * (NS * 16)

    if e % LANES:
        pad_len = LANES - e % LANES
        row = jnp.concatenate([edge_index[0],
                               jnp.full((pad_len,), n, jnp.int32)])
        col = jnp.concatenate([edge_index[1],
                               jnp.zeros((pad_len,), jnp.int32)])
        edges = jnp.concatenate([row, col])
        e_pad = e + pad_len
    else:
        edges = edge_index.reshape(2 * e)
        e_pad = e
    t = e_pad // LANES
    ta = min(t - 2 * NS, max(2 * NS, round(t * FRAC0)))
    tb = t - ta

    zacc = jnp.zeros((nacc, d), jnp.float32)
    zcnt = jnp.zeros((nacc,), jnp.float32)
    ones = jnp.ones((LANES,), jnp.float32)

    sums, cnt_flat = _sc_aggregate(nacc, e_pad, ta, tb, x, edges, zacc,
                                   zcnt, ones)
    cnt_col = cnt_flat.reshape(NC * nacc, 1)

    wt = W.T
    d_out = W.shape[0]
    block_rows = 1024
    grid = (n + block_rows - 1) // block_rows
    nblk = nacc // block_rows
    out = pl.pallas_call(
        _tc_body,
        grid=(grid,),
        in_specs=[
            pl.BlockSpec((block_rows, d), lambda i: (i, 0)),
            pl.BlockSpec((NC, block_rows, d), lambda i: (0, i, 0)),
            pl.BlockSpec((block_rows, 1), lambda i: (i, 0)),
            pl.BlockSpec((block_rows, 1), lambda i: (nblk + i, 0)),
            pl.BlockSpec((2 * d, d_out), lambda i: (0, 0)),
            pl.BlockSpec((1, d_out), lambda i: (0, 0)),
        ],
        out_specs=pl.BlockSpec((block_rows, d_out), lambda i: (i, 0)),
        out_shape=jax.ShapeDtypeStruct((n, d_out), jnp.float32),
    )(x, sums, cnt_col, cnt_col, wt, b.reshape(1, d_out))
    return out

# --- scband reference (transcript-rebuilt; emitter-appended) ---
"""Pipeline reference for scband-graph-sagelayer-74491912781907 (READ-ONLY COPY).

The authoritative reference and input builder live on the scoring server;
editing this copy changes nothing except your own understanding.
"""

import jax, jax.numpy as jnp
import numpy as np

N = 10000
E = 320000
D_IN = 128
D_OUT = 128


def setup_inputs(seed: int = 0) -> dict:
    key = jax.random.key(seed)
    k1, k2, k3, k4 = jax.random.split(key, 4)
    x = jax.random.normal(k1, (N, D_IN), dtype=jnp.float32)
    edge_index = jax.random.randint(k2, (2, E), 0, N, dtype=jnp.int32)
    # nn.Linear(in_features*2, out_features): weight [out, 2*in], bias [out]
    bound = 1.0 / np.sqrt(2 * D_IN)
    W = jax.random.uniform(k3, (D_OUT, 2 * D_IN), dtype=jnp.float32, minval=-bound, maxval=bound)
    b = jax.random.uniform(k4, (D_OUT,), dtype=jnp.float32, minval=-bound, maxval=bound)
    return {"x": x, "edge_index": edge_index, "W": W, "b": b}


def reference(x, edge_index, W, b):
    num_nodes = x.shape[0]
    row = edge_index[0]
    col = edge_index[1]
    # scatter-add of neighbour features into destination rows
    neighbour_sum = jnp.zeros_like(x).at[row].add(x[col])
    neighbour_count = jnp.zeros((num_nodes, 1), dtype=x.dtype).at[row].add(
        jnp.ones((row.shape[0], 1), dtype=x.dtype)
    )
    neighbour_mean = neighbour_sum / (neighbour_count + 1e-09)
    combined = jnp.concatenate([x, neighbour_mean], axis=-1)
    out = combined @ W.T + b
    return jax.nn.relu(out)

if __name__ == "__main__":
    import jax
    _d = setup_inputs()
    print(jax.jit(kernel)(*tuple(_d.values())))

</pallas_src>

<mosaic_0001>
#map = affine_map<(d0, d1) -> (0, 0)>
#map1 = affine_map<(d0, d1) -> (0)>
#map2 = affine_map<(d0, d1) -> (0, 0, 0)>
module attributes {stable_mosaic.version = 14 : i64} {
  func.func @agg(%arg0: i32, %arg1: i32, %arg2: memref<10000x128xf32, #tpu.memory_space<hbm>>, %arg3: memref<640000xi32, #tpu.memory_space<hbm>>, %arg4: memref<10240x128xf32, #tpu.memory_space<hbm>>, %arg5: memref<10240xf32, #tpu.memory_space<hbm>>, %arg6: memref<128xf32, #tpu.memory_space<hbm>>, %arg7: memref<2x10240x128xf32, #tpu.memory_space<hbm>>, %arg8: memref<20480xf32, #tpu.memory_space<hbm>>, %arg9: memref<2x128xi32, #tpu.memory_space<vmem>>, %arg10: memref<2x128xi32, #tpu.memory_space<vmem>>, %arg11: memref<2x128x128xf32, #tpu.memory_space<vmem>>, %arg12: memref<128xf32, #tpu.memory_space<vmem>>, %arg13: memref<10240x128xf32, #tpu.memory_space<vmem_shared>>, %arg14: memref<10240xf32, #tpu.memory_space<vmem_shared>>, %arg15: memref<!tpu.dma_semaphore, #tpu.memory_space<semaphore_mem>>, %arg16: memref<!tpu.dma_semaphore, #tpu.memory_space<semaphore_mem>>) attributes {dimension_semantics = [#tpu.dimension_semantics<core_parallel>, #tpu.dimension_semantics<subcore_parallel>], iteration_bounds = array<i64: 2, 16>, scalar_prefetch = 0 : i64, scratch_operands = 8 : i64, tpu.core_type = #tpu.core_type<sc_vector_subcore>, window_params = [{transform_indices = #map}, {transform_indices = #map1}, {transform_indices = #map}, {transform_indices = #map1}, {transform_indices = #map1}, {transform_indices = #map2}, {transform_indices = #map1}]} {
    %eq3A = arith.constant 0 : i32
    %eq3A_0 = arith.cmpi eq, %arg0, %eq3A : i32
    %mul3A = arith.constant 78 : i32
    %mul3A_1 = arith.muli %arg1, %mul3A : i32
    %min3A = arith.constant 2 : i32
    %min3A_2 = arith.minsi %arg1, %min3A : i32
    %add3A = arith.addi %mul3A_1, %min3A_2 : i32
    %mul3A_3 = arith.constant 78 : i32
    %mul3A_4 = arith.muli %arg1, %mul3A_3 : i32
    %add3A_5 = arith.constant 1250 : i32
    %add3A_6 = arith.addi %add3A_5, %mul3A_4 : i32
    %min3A_7 = arith.constant 2 : i32
    %min3A_8 = arith.minsi %arg1, %min3A_7 : i32
    %add3A_9 = arith.addi %add3A_6, %min3A_8 : i32
    %select_n3A = arith.select %eq3A_0, %add3A, %add3A_9 : i32
    %eq3A_10 = arith.constant 0 : i32
    %eq3A_11 = arith.cmpi eq, %arg0, %eq3A_10 : i32
    %lt3A = arith.constant 2 : i32
    %lt3A_12 = arith.cmpi slt, %arg1, %lt3A : i32
    %jit3A = arith.constant 1 : i32
    %jit3A_13 = arith.constant 0 : i32
    %select_n3A_14 = arith.select %lt3A_12, %jit3A, %jit3A_13 : i32
    %add3A_15 = arith.constant 78 : i32
    %add3A_16 = arith.addi %add3A_15, %select_n3A_14 : i32
    %lt3A_17 = arith.constant 2 : i32
    %lt3A_18 = arith.cmpi slt, %arg1, %lt3A_17 : i32
    %jit3A_19 = arith.constant 1 : i32
    %jit3A_20 = arith.constant 0 : i32
    %select_n3A_21 = arith.select %lt3A_18, %jit3A_19, %jit3A_20 : i32
    %add3A_22 = arith.constant 78 : i32
    %add3A_23 = arith.addi %add3A_22, %select_n3A_21 : i32
    %select_n3A_24 = arith.select %eq3A_11, %add3A_16, %add3A_23 : i32
    %mul3A_25 = arith.constant 640 : i32
    %mul3A_26 = arith.muli %arg1, %mul3A_25 : i32
    "tpu.region"() ({
      %run_scoped3A_78 = tpu.sem_alloc : memref<!tpu.dma_semaphore, #tpu.memory_space<semaphore_mem>>
      %dma_start3A_79 = arith.constant 0 : i32
      %dma_start3A_80 = tpu.memref_slice %arg13[%mul3A_26, %dma_start3A_79] : memref<10240x128xf32, #tpu.memory_space<vmem_shared>> -> memref<640x128xf32, #tpu.memory_space<vmem_shared>>
      %dma_start3A_81 = arith.constant 0 : i32
      %dma_start3A_82 = tpu.memref_slice %arg4[%mul3A_26, %dma_start3A_81] : memref<10240x128xf32, #tpu.memory_space<hbm>> -> memref<640x128xf32, #tpu.memory_space<hbm>>
      tpu.enqueue_dma source(%dma_start3A_82 : memref<640x128xf32, #tpu.memory_space<hbm>>) target(%dma_start3A_80 : memref<640x128xf32, #tpu.memory_space<vmem_shared>>) target_semaphore(%run_scoped3A_78 : memref<!tpu.dma_semaphore, #tpu.memory_space<semaphore_mem>>)
      %dma_wait3A = arith.constant 0 : i32
      %dma_wait3A_83 = tpu.memref_slice %arg13[%mul3A_26, %dma_wait3A] : memref<10240x128xf32, #tpu.memory_space<vmem_shared>> -> memref<640x128xf32, #tpu.memory_space<vmem_shared>>
      %dma_wait3A_84 = arith.constant 0 : i32
      %dma_wait3A_85 = tpu.memref_slice %arg4[%mul3A_26, %dma_wait3A_84] : memref<10240x128xf32, #tpu.memory_space<hbm>> -> memref<640x128xf32, #tpu.memory_space<hbm>>
      tpu.wait_dma2 semaphore(%run_scoped3A_78 : memref<!tpu.dma_semaphore, #tpu.memory_space<semaphore_mem>>) src(%dma_wait3A_85 : memref<640x128xf32, #tpu.memory_space<hbm>>) dst(%dma_wait3A_83 : memref<640x128xf32, #tpu.memory_space<vmem_shared>>)
      tpu.yield
    }) : () -> ()
    "tpu.region"() ({
      %run_scoped3A_78 = tpu.sem_alloc : memref<!tpu.dma_semaphore, #tpu.memory_space<semaphore_mem>>
      %dma_start3A_79 = tpu.memref_slice %arg14[%mul3A_26] : memref<10240xf32, #tpu.memory_space<vmem_shared>> -> memref<640xf32, #tpu.memory_space<vmem_shared>>
      %dma_start3A_80 = tpu.memref_slice %arg5[%mul3A_26] : memref<10240xf32, #tpu.memory_space<hbm>> -> memref<640xf32, #tpu.memory_space<hbm>>
      tpu.enqueue_dma source(%dma_start3A_80 : memref<640xf32, #tpu.memory_space<hbm>>) target(%dma_start3A_79 : memref<640xf32, #tpu.memory_space<vmem_shared>>) target_semaphore(%run_scoped3A_78 : memref<!tpu.dma_semaphore, #tpu.memory_space<semaphore_mem>>)
      %dma_wait3A = tpu.memref_slice %arg14[%mul3A_26] : memref<10240xf32, #tpu.memory_space<vmem_shared>> -> memref<640xf32, #tpu.memory_space<vmem_shared>>
      %dma_wait3A_81 = tpu.memref_slice %arg5[%mul3A_26] : memref<10240xf32, #tpu.memory_space<hbm>> -> memref<640xf32, #tpu.memory_space<hbm>>
      tpu.wait_dma2 semaphore(%run_scoped3A_78 : memref<!tpu.dma_semaphore, #tpu.memory_space<semaphore_mem>>) src(%dma_wait3A_81 : memref<640xf32, #tpu.memory_space<hbm>>) dst(%dma_wait3A : memref<640xf32, #tpu.memory_space<vmem_shared>>)
      tpu.yield
    }) : () -> ()
    "tpu.region"() ({
      %run_scoped3A_78 = tpu.sem_alloc : memref<!tpu.dma_semaphore, #tpu.memory_space<semaphore_mem>>
      tpu.enqueue_dma source(%arg6 : memref<128xf32, #tpu.memory_space<hbm>>) target(%arg12 : memref<128xf32, #tpu.memory_space<vmem>>) target_semaphore(%run_scoped3A_78 : memref<!tpu.dma_semaphore, #tpu.memory_space<semaphore_mem>>)
      tpu.wait_dma2 semaphore(%run_scoped3A_78 : memref<!tpu.dma_semaphore, #tpu.memory_space<semaphore_mem>>) src(%arg6 : memref<128xf32, #tpu.memory_space<hbm>>) dst(%arg12 : memref<128xf32, #tpu.memory_space<vmem>>)
      tpu.yield
    }) : () -> ()
    %barrier3A = arith.constant 0 : index
    tpu.barrier barrier_id(%barrier3A)
    %add3A_27 = arith.constant 0 : i32
    %add3A_28 = arith.addi %select_n3A, %add3A_27 : i32
    %mul3A_29 = arith.constant 128 : i32
    %mul3A_30 = arith.muli %add3A_28, %mul3A_29 : i32
    %add3A_31 = arith.constant 320000 : i32
    %add3A_32 = arith.addi %add3A_31, %mul3A_30 : i32
    %run_scoped3A = arith.constant 0 : i32
    "tpu.region"() ({
      %run_scoped3A_78 = tpu.sem_alloc : memref<!tpu.dma_semaphore, #tpu.memory_space<semaphore_mem>>
      %dma_start3A_79 = arith.constant 0 : i32
      %dma_start3A_80 = tpu.memref_slice %arg9[%run_scoped3A, %dma_start3A_79] : memref<2x128xi32, #tpu.memory_space<vmem>> -> memref<1x128xi32, #tpu.memory_space<vmem>>
      %dma_start3A_81 = tpu.memref_squeeze %dma_start3A_80 : memref<1x128xi32, #tpu.memory_space<vmem>> -> memref<128xi32, #tpu.memory_space<vmem>>
      %dma_start3A_82 = tpu.memref_slice %arg3[%add3A_32] : memref<640000xi32, #tpu.memory_space<hbm>> -> memref<128xi32, #tpu.memory_space<hbm>>
      %dma_start3A_83 = arith.constant 0 : i32
      %dma_start3A_84 = tpu.memref_slice %arg9[%run_scoped3A, %dma_start3A_83] : memref<2x128xi32, #tpu.memory_space<vmem>> -> memref<1x128xi32, #tpu.memory_space<vmem>>
      %dma_start3A_85 = tpu.memref_squeeze %dma_start3A_84 : memref<1x128xi32, #tpu.memory_space<vmem>> -> memref<128xi32, #tpu.memory_space<vmem>>
      %dma_start3A_86 = tpu.memref_slice %arg3[%add3A_32] : memref<640000xi32, #tpu.memory_space<hbm>> -> memref<128xi32, #tpu.memory_space<hbm>>
      tpu.enqueue_dma source(%dma_start3A_86 : memref<128xi32, #tpu.memory_space<hbm>>) target(%dma_start3A_85 : memref<128xi32, #tpu.memory_space<vmem>>) target_semaphore(%run_scoped3A_78 : memref<!tpu.dma_semaphore, #tpu.memory_space<semaphore_mem>>)
      %dma_wait3A = arith.constant 0 : i32
      %dma_wait3A_87 = tpu.memref_slice %arg9[%run_scoped3A, %dma_wait3A] : memref<2x128xi32, #tpu.memory_space<vmem>> -> memref<1x128xi32, #tpu.memory_space<vmem>>
      %dma_wait3A_88 = tpu.memref_squeeze %dma_wait3A_87 : memref<1x128xi32, #tpu.memory_space<vmem>> -> memref<128xi32, #tpu.memory_space<vmem>>
      %dma_wait3A_89 = tpu.memref_slice %arg3[%add3A_32] : memref<640000xi32, #tpu.memory_space<hbm>> -> memref<128xi32, #tpu.memory_space<hbm>>
      %dma_wait3A_90 = arith.constant 0 : i32
      %dma_wait3A_91 = tpu.memref_slice %arg9[%run_scoped3A, %dma_wait3A_90] : memref<2x128xi32, #tpu.memory_space<vmem>> -> memref<1x128xi32, #tpu.memory_space<vmem>>
      %dma_wait3A_92 = tpu.memref_squeeze %dma_wait3A_91 : memref<1x128xi32, #tpu.memory_space<vmem>> -> memref<128xi32, #tpu.memory_space<vmem>>
      %dma_wait3A_93 = tpu.memref_slice %arg3[%add3A_32] : memref<640000xi32, #tpu.memory_space<hbm>> -> memref<128xi32, #tpu.memory_space<hbm>>
      tpu.wait_dma2 semaphore(%run_scoped3A_78 : memref<!tpu.dma_semaphore, #tpu.memory_space<semaphore_mem>>) src(%dma_wait3A_93 : memref<128xi32, #tpu.memory_space<hbm>>) dst(%dma_wait3A_92 : memref<128xi32, #tpu.memory_space<vmem>>)
      tpu.yield
    }) : () -> ()
    %run_scoped3A_33 = arith.constant 0 : i32
    "tpu.region"() ({
      %run_scoped3A_78 = tpu.sem_alloc : memref<!tpu.dma_semaphore, #tpu.memory_space<semaphore_mem>>
      %dma_start3A_79 = arith.constant 0 : i32
      %dma_start3A_80 = tpu.memref_slice %arg10[%run_scoped3A_33, %dma_start3A_79] : memref<2x128xi32, #tpu.memory_space<vmem>> -> memref<1x128xi32, #tpu.memory_space<vmem>>
      %dma_start3A_81 = tpu.memref_squeeze %dma_start3A_80 : memref<1x128xi32, #tpu.memory_space<vmem>> -> memref<128xi32, #tpu.memory_space<vmem>>
      %dma_start3A_82 = tpu.memref_slice %arg3[%mul3A_30] : memref<640000xi32, #tpu.memory_space<hbm>> -> memref<128xi32, #tpu.memory_space<hbm>>
      %dma_start3A_83 = arith.constant 0 : i32
      %dma_start3A_84 = tpu.memref_slice %arg10[%run_scoped3A_33, %dma_start3A_83] : memref<2x128xi32, #tpu.memory_space<vmem>> -> memref<1x128xi32, #tpu.memory_space<vmem>>
      %dma_start3A_85 = tpu.memref_squeeze %dma_start3A_84 : memref<1x128xi32, #tpu.memory_space<vmem>> -> memref<128xi32, #tpu.memory_space<vmem>>
      %dma_start3A_86 = tpu.memref_slice %arg3[%mul3A_30] : memref<640000xi32, #tpu.memory_space<hbm>> -> memref<128xi32, #tpu.memory_space<hbm>>
      tpu.enqueue_dma source(%dma_start3A_86 : memref<128xi32, #tpu.memory_space<hbm>>) target(%dma_start3A_85 : memref<128xi32, #tpu.memory_space<vmem>>) target_semaphore(%run_scoped3A_78 : memref<!tpu.dma_semaphore, #tpu.memory_space<semaphore_mem>>)
      %dma_wait3A = arith.constant 0 : i32
      %dma_wait3A_87 = tpu.memref_slice %arg10[%run_scoped3A_33, %dma_wait3A] : memref<2x128xi32, #tpu.memory_space<vmem>> -> memref<1x128xi32, #tpu.memory_space<vmem>>
      %dma_wait3A_88 = tpu.memref_squeeze %dma_wait3A_87 : memref<1x128xi32, #tpu.memory_space<vmem>> -> memref<128xi32, #tpu.memory_space<vmem>>
      %dma_wait3A_89 = tpu.memref_slice %arg3[%mul3A_30] : memref<640000xi32, #tpu.memory_space<hbm>> -> memref<128xi32, #tpu.memory_space<hbm>>
      %dma_wait3A_90 = arith.constant 0 : i32
      %dma_wait3A_91 = tpu.memref_slice %arg10[%run_scoped3A_33, %dma_wait3A_90] : memref<2x128xi32, #tpu.memory_space<vmem>> -> memref<1x128xi32, #tpu.memory_space<vmem>>
      %dma_wait3A_92 = tpu.memref_squeeze %dma_wait3A_91 : memref<1x128xi32, #tpu.memory_space<vmem>> -> memref<128xi32, #tpu.memory_space<vmem>>
      %dma_wait3A_93 = tpu.memref_slice %arg3[%mul3A_30] : memref<640000xi32, #tpu.memory_space<hbm>> -> memref<128xi32, #tpu.memory_space<hbm>>
      tpu.wait_dma2 semaphore(%run_scoped3A_78 : memref<!tpu.dma_semaphore, #tpu.memory_space<semaphore_mem>>) src(%dma_wait3A_93 : memref<128xi32, #tpu.memory_space<hbm>>) dst(%dma_wait3A_92 : memref<128xi32, #tpu.memory_space<vmem>>)
      tpu.yield
    }) : () -> ()
    %dma_start3A = arith.constant 0 : i32
    %dma_start3A_34 = arith.constant 0 : i32
    %dma_start3A_35 = arith.constant 0 : i32
    %dma_start3A_36 = arith.constant 0 : i32
    %dma_start3A_37 = tpu.memref_slice %arg11[%dma_start3A_34, %dma_start3A_35, %dma_start3A_36] : memref<2x128x128xf32, #tpu.memory_space<vmem>> -> memref<1x128x128xf32, #tpu.memory_space<vmem>>
    %dma_start3A_38 = tpu.memref_squeeze %dma_start3A_37 : memref<1x128x128xf32, #tpu.memory_space<vmem>> -> memref<128x128xf32, #tpu.memory_space<vmem>>
    %dma_start3A_39 = arith.constant 0 : i32
    %dma_start3A_40 = tpu.memref_slice %arg9[%dma_start3A, %dma_start3A_39] : memref<2x128xi32, #tpu.memory_space<vmem>> -> memref<1x128xi32, #tpu.memory_space<vmem>>
    %dma_start3A_41 = tpu.memref_squeeze %dma_start3A_40 : memref<1x128xi32, #tpu.memory_space<vmem>> -> memref<128xi32, #tpu.memory_space<vmem>>
    %dma_start3A_42 = arith.constant 0 : i32
    %dma_start3A_43 = arith.constant 0 : i32
    %dma_start3A_44 = tpu.memref_slice %arg2[%dma_start3A_42, %dma_start3A_43] : memref<10000x128xf32, #tpu.memory_space<hbm>> -> memref<10000x128xf32, #tpu.memory_space<hbm>>
    tpu.enqueue_indirect_dma source(%dma_start3A_44 : memref<10000x128xf32, #tpu.memory_space<hbm>>) target(%dma_start3A_38 : memref<128x128xf32, #tpu.memory_space<vmem>>) offsets(%dma_start3A_41 : memref<128xi32, #tpu.memory_space<vmem>>) semaphore(%arg15 : memref<!tpu.dma_semaphore, #tpu.memory_space<semaphore_mem>>)
    %add3A_45 = arith.constant 1 : i32
    %add3A_46 = arith.addi %select_n3A, %add3A_45 : i32
    %mul3A_47 = arith.constant 128 : i32
    %mul3A_48 = arith.muli %add3A_46, %mul3A_47 : i32
    %add3A_49 = arith.constant 320000 : i32
    %add3A_50 = arith.addi %add3A_49, %mul3A_48 : i32
    %run_scoped3A_51 = arith.constant 1 : i32
    "tpu.region"() ({
      %run_scoped3A_78 = tpu.sem_alloc : memref<!tpu.dma_semaphore, #tpu.memory_space<semaphore_mem>>
      %dma_start3A_79 = arith.constant 0 : i32
      %dma_start3A_80 = tpu.memref_slice %arg9[%run_scoped3A_51, %dma_start3A_79] : memref<2x128xi32, #tpu.memory_space<vmem>> -> memref<1x128xi32, #tpu.memory_space<vmem>>
      %dma_start3A_81 = tpu.memref_squeeze %dma_start3A_80 : memref<1x128xi32, #tpu.memory_space<vmem>> -> memref<128xi32, #tpu.memory_space<vmem>>
      %dma_start3A_82 = tpu.memref_slice %arg3[%add3A_50] : memref<640000xi32, #tpu.memory_space<hbm>> -> memref<128xi32, #tpu.memory_space<hbm>>
      %dma_start3A_83 = arith.constant 0 : i32
      %dma_start3A_84 = tpu.memref_slice %arg9[%run_scoped3A_51, %dma_start3A_83] : memref<2x128xi32, #tpu.memory_space<vmem>> -> memref<1x128xi32, #tpu.memory_space<vmem>>
      %dma_start3A_85 = tpu.memref_squeeze %dma_start3A_84 : memref<1x128xi32, #tpu.memory_space<vmem>> -> memref<128xi32, #tpu.memory_space<vmem>>
      %dma_start3A_86 = tpu.memref_slice %arg3[%add3A_50] : memref<640000xi32, #tpu.memory_space<hbm>> -> memref<128xi32, #tpu.memory_space<hbm>>
      tpu.enqueue_dma source(%dma_start3A_86 : memref<128xi32, #tpu.memory_space<hbm>>) target(%dma_start3A_85 : memref<128xi32, #tpu.memory_space<vmem>>) target_semaphore(%run_scoped3A_78 : memref<!tpu.dma_semaphore, #tpu.memory_space<semaphore_mem>>)
      %dma_wait3A = arith.constant 0 : i32
      %dma_wait3A_87 = tpu.memref_slice %arg9[%run_scoped3A_51, %dma_wait3A] : memref<2x128xi32, #tpu.memory_space<vmem>> -> memref<1x128xi32, #tpu.memory_space<vmem>>
      %dma_wait3A_88 = tpu.memref_squeeze %dma_wait3A_87 : memref<1x128xi32, #tpu.memory_space<vmem>> -> memref<128xi32, #tpu.memory_space<vmem>>
      %dma_wait3A_89 = tpu.memref_slice %arg3[%add3A_50] : memref<640000xi32, #tpu.memory_space<hbm>> -> memref<128xi32, #tpu.memory_space<hbm>>
      %dma_wait3A_90 = arith.constant 0 : i32
      %dma_wait3A_91 = tpu.memref_slice %arg9[%run_scoped3A_51, %dma_wait3A_90] : memref<2x128xi32, #tpu.memory_space<vmem>> -> memref<1x128xi32, #tpu.memory_space<vmem>>
      %dma_wait3A_92 = tpu.memref_squeeze %dma_wait3A_91 : memref<1x128xi32, #tpu.memory_space<vmem>> -> memref<128xi32, #tpu.memory_space<vmem>>
      %dma_wait3A_93 = tpu.memref_slice %arg3[%add3A_50] : memref<640000xi32, #tpu.memory_space<hbm>> -> memref<128xi32, #tpu.memory_space<hbm>>
      tpu.wait_dma2 semaphore(%run_scoped3A_78 : memref<!tpu.dma_semaphore, #tpu.memory_space<semaphore_mem>>) src(%dma_wait3A_93 : memref<128xi32, #tpu.memory_space<hbm>>) dst(%dma_wait3A_92 : memref<128xi32, #tpu.memory_space<vmem>>)
      tpu.yield
    }) : () -> ()
    %run_scoped3A_52 = arith.constant 1 : i32
    "tpu.region"() ({
      %run_scoped3A_78 = tpu.sem_alloc : memref<!tpu.dma_semaphore, #tpu.memory_space<semaphore_mem>>
      %dma_start3A_79 = arith.constant 0 : i32
      %dma_start3A_80 = tpu.memref_slice %arg10[%run_scoped3A_52, %dma_start3A_79] : memref<2x128xi32, #tpu.memory_space<vmem>> -> memref<1x128xi32, #tpu.memory_space<vmem>>
      %dma_start3A_81 = tpu.memref_squeeze %dma_start3A_80 : memref<1x128xi32, #tpu.memory_space<vmem>> -> memref<128xi32, #tpu.memory_space<vmem>>
      %dma_start3A_82 = tpu.memref_slice %arg3[%mul3A_48] : memref<640000xi32, #tpu.memory_space<hbm>> -> memref<128xi32, #tpu.memory_space<hbm>>
      %dma_start3A_83 = arith.constant 0 : i32
      %dma_start3A_84 = tpu.memref_slice %arg10[%run_scoped3A_52, %dma_start3A_83] : memref<2x128xi32, #tpu.memory_space<vmem>> -> memref<1x128xi32, #tpu.memory_space<vmem>>
      %dma_start3A_85 = tpu.memref_squeeze %dma_start3A_84 : memref<1x128xi32, #tpu.memory_space<vmem>> -> memref<128xi32, #tpu.memory_space<vmem>>
      %dma_start3A_86 = tpu.memref_slice %arg3[%mul3A_48] : memref<640000xi32, #tpu.memory_space<hbm>> -> memref<128xi32, #tpu.memory_space<hbm>>
      tpu.enqueue_dma source(%dma_start3A_86 : memref<128xi32, #tpu.memory_space<hbm>>) target(%dma_start3A_85 : memref<128xi32, #tpu.memory_space<vmem>>) target_semaphore(%run_scoped3A_78 : memref<!tpu.dma_semaphore, #tpu.memory_space<semaphore_mem>>)
      %dma_wait3A = arith.constant 0 : i32
      %dma_wait3A_87 = tpu.memref_slice %arg10[%run_scoped3A_52, %dma_wait3A] : memref<2x128xi32, #tpu.memory_space<vmem>> -> memref<1x128xi32, #tpu.memory_space<vmem>>
      %dma_wait3A_88 = tpu.memref_squeeze %dma_wait3A_87 : memref<1x128xi32, #tpu.memory_space<vmem>> -> memref<128xi32, #tpu.memory_space<vmem>>
      %dma_wait3A_89 = tpu.memref_slice %arg3[%mul3A_48] : memref<640000xi32, #tpu.memory_space<hbm>> -> memref<128xi32, #tpu.memory_space<hbm>>
      %dma_wait3A_90 = arith.constant 0 : i32
      %dma_wait3A_91 = tpu.memref_slice %arg10[%run_scoped3A_52, %dma_wait3A_90] : memref<2x128xi32, #tpu.memory_space<vmem>> -> memref<1x128xi32, #tpu.memory_space<vmem>>
      %dma_wait3A_92 = tpu.memref_squeeze %dma_wait3A_91 : memref<1x128xi32, #tpu.memory_space<vmem>> -> memref<128xi32, #tpu.memory_space<vmem>>
      %dma_wait3A_93 = tpu.memref_slice %arg3[%mul3A_48] : memref<640000xi32, #tpu.memory_space<hbm>> -> memref<128xi32, #tpu.memory_space<hbm>>
      tpu.wait_dma2 semaphore(%run_scoped3A_78 : memref<!tpu.dma_semaphore, #tpu.memory_space<semaphore_mem>>) src(%dma_wait3A_93 : memref<128xi32, #tpu.memory_space<hbm>>) dst(%dma_wait3A_92 : memref<128xi32, #tpu.memory_space<vmem>>)
      tpu.yield
    }) : () -> ()
    %dma_start3A_53 = arith.constant 1 : i32
    %dma_start3A_54 = arith.constant 1 : i32
    %dma_start3A_55 = arith.constant 0 : i32
    %dma_start3A_56 = arith.constant 0 : i32
    %dma_start3A_57 = tpu.memref_slice %arg11[%dma_start3A_54, %dma_start3A_55, %dma_start3A_56] : memref<2x128x128xf32, #tpu.memory_space<vmem>> -> memref<1x128x128xf32, #tpu.memory_space<vmem>>
    %dma_start3A_58 = tpu.memref_squeeze %dma_start3A_57 : memref<1x128x128xf32, #tpu.memory_space<vmem>> -> memref<128x128xf32, #tpu.memory_space<vmem>>
    %dma_start3A_59 = arith.constant 0 : i32
    %dma_start3A_60 = tpu.memref_slice %arg9[%dma_start3A_53, %dma_start3A_59] : memref<2x128xi32, #tpu.memory_space<vmem>> -> memref<1x128xi32, #tpu.memory_space<vmem>>
    %dma_start3A_61 = tpu.memref_squeeze %dma_start3A_60 : memref<1x128xi32, #tpu.memory_space<vmem>> -> memref<128xi32, #tpu.memory_space<vmem>>
    %dma_start3A_62 = arith.constant 0 : i32
    %dma_start3A_63 = arith.constant 0 : i32
    %dma_start3A_64 = tpu.memref_slice %arg2[%dma_start3A_62, %dma_start3A_63] : memref<10000x128xf32, #tpu.memory_space<hbm>> -> memref<10000x128xf32, #tpu.memory_space<hbm>>
    tpu.enqueue_indirect_dma source(%dma_start3A_64 : memref<10000x128xf32, #tpu.memory_space<hbm>>) target(%dma_start3A_58 : memref<128x128xf32, #tpu.memory_space<vmem>>) offsets(%dma_start3A_61 : memref<128xi32, #tpu.memory_space<vmem>>) semaphore(%arg16 : memref<!tpu.dma_semaphore, #tpu.memory_space<semaphore_mem>>)
    %while3A = arith.constant 0 : i32
    %while3A_65 = arith.constant 0 : i32
    %while3A_66 = arith.subi %select_n3A_24, %while3A_65 : i32
    %while3A_67 = arith.addi %while3A_65, %while3A_66 : i32
    %while3A_68 = arith.constant 1 : i32
    %while3A_69 = arith.divsi %while3A_66, %while3A_68 : i32
    %while3A_70 = arith.muli %while3A_69, %while3A_68 : i32
    %while3A_71 = arith.addi %while3A_65, %while3A_70 : i32
    %while3A_72 = arith.constant 1 : i32
    scf.for %while3A_78 = %while3A_65 to %while3A_71 step %while3A_72  : i32 {
      %jit3A_79 = arith.constant 2 : i32
      %eq3A_80 = arith.constant 0 : i32
      %eq3A_81 = arith.cmpi eq, %jit3A_79, %eq3A_80 : i32
      %jit3A_82 = arith.constant 1 : i32
      %select_n3A_83 = arith.select %eq3A_81, %jit3A_82, %jit3A_79 : i32
      %rem3A = arith.remsi %while3A_78, %select_n3A_83 : i32
      %ne3A = arith.constant 0 : i32
      %ne3A_84 = arith.cmpi ne, %rem3A, %ne3A : i32
      %lt3A_85 = arith.constant 0 : i32
      %lt3A_86 = arith.cmpi slt, %rem3A, %lt3A_85 : i32
      %lt3A_87 = arith.constant 0 : i32
      %lt3A_88 = arith.cmpi slt, %select_n3A_83, %lt3A_87 : i32
      %ne3A_89 = arith.xori %lt3A_86, %lt3A_88 : i1
      %and3A = arith.andi %ne3A_89, %ne3A_84 : i1
      %add3A_90 = arith.addi %rem3A, %select_n3A_83 : i32
      %select_n3A_91 = arith.select %and3A, %add3A_90, %rem3A : i32
      %eq3A_92 = arith.constant 0 : i32
      %eq3A_93 = arith.cmpi eq, %select_n3A_91, %eq3A_92 : i32
      %convert_element_type3A = arith.extui %eq3A_93 : i1 to i32
      %cond3A = arith.constant 0 : i32
      %cond3A_94 = arith.cmpi ne, %convert_element_type3A, %cond3A : i32
      scf.if %cond3A_94 {
        %dma_wait3A = arith.constant 0 : i32
        %dma_wait3A_116 = arith.constant 0 : i32
        %dma_wait3A_117 = arith.constant 0 : i32
        %dma_wait3A_118 = tpu.memref_slice %arg11[%dma_wait3A, %dma_wait3A_116, %dma_wait3A_117] : memref<2x128x128xf32, #tpu.memory_space<vmem>> -> memref<1x128x128xf32, #tpu.memory_space<vmem>>
        %dma_wait3A_119 = tpu.memref_squeeze %dma_wait3A_118 : memref<1x128x128xf32, #tpu.memory_space<vmem>> -> memref<128x128xf32, #tpu.memory_space<vmem>>
        %dma_wait3A_120 = arith.constant 0 : i32
        %dma_wait3A_121 = arith.constant 0 : i32
        %dma_wait3A_122 = tpu.memref_slice %arg2[%dma_wait3A_120, %dma_wait3A_121] : memref<10000x128xf32, #tpu.memory_space<hbm>> -> memref<128x128xf32, #tpu.memory_space<hbm>>
        %dma_wait3A_123 = arith.constant 0 : i32
        %dma_wait3A_124 = arith.constant 0 : i32
        %dma_wait3A_125 = tpu.memref_slice %arg11[%dma_wait3A, %dma_wait3A_123, %dma_wait3A_124] : memref<2x128x128xf32, #tpu.memory_space<vmem>> -> memref<1x128x128xf32, #tpu.memory_space<vmem>>
        %dma_wait3A_126 = tpu.memref_squeeze %dma_wait3A_125 : memref<1x128x128xf32, #tpu.memory_space<vmem>> -> memref<128x128xf32, #tpu.memory_space<vmem>>
        %dma_wait3A_127 = arith.constant 0 : i32
        %dma_wait3A_128 = arith.constant 0 : i32
        %dma_wait3A_129 = tpu.memref_slice %arg2[%dma_wait3A_127, %dma_wait3A_128] : memref<10000x128xf32, #tpu.memory_space<hbm>> -> memref<128x128xf32, #tpu.memory_space<hbm>>
        tpu.wait_dma2 semaphore(%arg15 : memref<!tpu.dma_semaphore, #tpu.memory_space<semaphore_mem>>) src(%dma_wait3A_129 : memref<128x128xf32, #tpu.memory_space<hbm>>) dst(%dma_wait3A_126 : memref<128x128xf32, #tpu.memory_space<vmem>>)
        %run_scoped3A_130 = arith.constant 0 : i32
        %run_scoped3A_131 = arith.constant 0 : i32
        "tpu.region"() ({
          %run_scoped3A_139 = tpu.sem_alloc : memref<!tpu.dma_semaphore, #tpu.memory_space<semaphore_mem>>
          %dma_start3A_140 = arith.constant 0 : i32
          %dma_start3A_141 = arith.constant 0 : i32
          %dma_start3A_142 = tpu.memref_slice %arg11[%run_scoped3A_130, %dma_start3A_140, %dma_start3A_141] : memref<2x128x128xf32, #tpu.memory_space<vmem>> -> memref<1x128x128xf32, #tpu.memory_space<vmem>>
          %dma_start3A_143 = tpu.memref_squeeze %dma_start3A_142 : memref<1x128x128xf32, #tpu.memory_space<vmem>> -> memref<128x128xf32, #tpu.memory_space<vmem>>
          %dma_start3A_144 = arith.constant 0 : i32
          %dma_start3A_145 = tpu.memref_slice %arg10[%run_scoped3A_131, %dma_start3A_144] : memref<2x128xi32, #tpu.memory_space<vmem>> -> memref<1x128xi32, #tpu.memory_space<vmem>>
          %dma_start3A_146 = tpu.memref_squeeze %dma_start3A_145 : memref<1x128xi32, #tpu.memory_space<vmem>> -> memref<128xi32, #tpu.memory_space<vmem>>
          %dma_start3A_147 = arith.constant 0 : i32
          %dma_start3A_148 = arith.constant 0 : i32
          %dma_start3A_149 = tpu.memref_slice %arg13[%dma_start3A_147, %dma_start3A_148] : memref<10240x128xf32, #tpu.memory_space<vmem_shared>> -> memref<10240x128xf32, #tpu.memory_space<vmem_shared>>
          tpu.enqueue_indirect_dma source(%dma_start3A_143 : memref<128x128xf32, #tpu.memory_space<vmem>>) target(%dma_start3A_149 : memref<10240x128xf32, #tpu.memory_space<vmem_shared>>) offsets(%dma_start3A_146 : memref<128xi32, #tpu.memory_space<vmem>>) semaphore(%run_scoped3A_139 : memref<!tpu.dma_semaphore, #tpu.memory_space<semaphore_mem>>) {add = true}
          %dma_wait3A_150 = arith.constant 0 : i32
          %dma_wait3A_151 = arith.constant 0 : i32
          %dma_wait3A_152 = tpu.memref_slice %arg11[%run_scoped3A_130, %dma_wait3A_150, %dma_wait3A_151] : memref<2x128x128xf32, #tpu.memory_space<vmem>> -> memref<1x128x128xf32, #tpu.memory_space<vmem>>
          %dma_wait3A_153 = tpu.memref_squeeze %dma_wait3A_152 : memref<1x128x128xf32, #tpu.memory_space<vmem>> -> memref<128x128xf32, #tpu.memory_space<vmem>>
          %dma_wait3A_154 = arith.constant 0 : i32
          %dma_wait3A_155 = tpu.memref_slice %arg10[%run_scoped3A_131, %dma_wait3A_154] : memref<2x128xi32, #tpu.memory_space<vmem>> -> memref<1x128xi32, #tpu.memory_space<vmem>>
          %dma_wait3A_156 = tpu.memref_squeeze %dma_wait3A_155 : memref<1x128xi32, #tpu.memory_space<vmem>> -> memref<128xi32, #tpu.memory_space<vmem>>
          %dma_wait3A_157 = arith.constant 0 : i32
          %dma_wait3A_158 = arith.constant 0 : i32
          %dma_wait3A_159 = tpu.memref_slice %arg13[%dma_wait3A_157, %dma_wait3A_158] : memref<10240x128xf32, #tpu.memory_space<vmem_shared>> -> memref<10240x128xf32, #tpu.memory_space<vmem_shared>>
          tpu.wait_indirect_dma semaphore(%run_scoped3A_139 : memref<!tpu.dma_semaphore, #tpu.memory_space<semaphore_mem>>) src(%dma_wait3A_153 : memref<128x128xf32, #tpu.memory_space<vmem>>) dst(%dma_wait3A_159 : memref<10240x128xf32, #tpu.memory_space<vmem_shared>>)
          tpu.yield
        }) : () -> ()
        %run_scoped3A_132 = arith.constant 0 : i32
        "tpu.region"() ({
          %run_scoped3A_139 = tpu.sem_alloc : memref<!tpu.dma_semaphore, #tpu.memory_space<semaphore_mem>>
          %dma_start3A_140 = arith.constant 0 : i32
          %dma_start3A_141 = tpu.memref_slice %arg10[%run_scoped3A_132, %dma_start3A_140] : memref<2x128xi32, #tpu.memory_space<vmem>> -> memref<1x128xi32, #tpu.memory_space<vmem>>
          %dma_start3A_142 = tpu.memref_squeeze %dma_start3A_141 : memref<1x128xi32, #tpu.memory_space<vmem>> -> memref<128xi32, #tpu.memory_space<vmem>>
          %dma_start3A_143 = arith.constant 0 : i32
          %dma_start3A_144 = tpu.memref_slice %arg14[%dma_start3A_143] : memref<10240xf32, #tpu.memory_space<vmem_shared>> -> memref<10240xf32, #tpu.memory_space<vmem_shared>>
          tpu.enqueue_indirect_dma source(%arg12 : memref<128xf32, #tpu.memory_space<vmem>>) target(%dma_start3A_144 : memref<10240xf32, #tpu.memory_space<vmem_shared>>) offsets(%dma_start3A_142 : memref<128xi32, #tpu.memory_space<vmem>>) semaphore(%run_scoped3A_139 : memref<!tpu.dma_semaphore, #tpu.memory_space<semaphore_mem>>) {add = true}
          %dma_wait3A_145 = arith.constant 0 : i32
          %dma_wait3A_146 = tpu.memref_slice %arg10[%run_scoped3A_132, %dma_wait3A_145] : memref<2x128xi32, #tpu.memory_space<vmem>> -> memref<1x128xi32, #tpu.memory_space<vmem>>
          %dma_wait3A_147 = tpu.memref_squeeze %dma_wait3A_146 : memref<1x128xi32, #tpu.memory_space<vmem>> -> memref<128xi32, #tpu.memory_space<vmem>>
          %dma_wait3A_148 = arith.constant 0 : i32
          %dma_wait3A_149 = tpu.memref_slice %arg14[%dma_wait3A_148] : memref<10240xf32, #tpu.memory_space<vmem_shared>> -> memref<10240xf32, #tpu.memory_space<vmem_shared>>
          tpu.wait_indirect_dma semaphore(%run_scoped3A_139 : memref<!tpu.dma_semaphore, #tpu.memory_space<semaphore_mem>>) src(%arg12 : memref<128xf32, #tpu.memory_space<vmem>>) dst(%dma_wait3A_149 : memref<10240xf32, #tpu.memory_space<vmem_shared>>)
          tpu.yield
        }) : () -> ()
        %add3A_133 = arith.constant 2 : i32
        %add3A_134 = arith.addi %while3A_78, %add3A_133 : i32
        %lt3A_135 = arith.cmpi slt, %add3A_134, %select_n3A_24 : i32
        %convert_element_type3A_136 = arith.extui %lt3A_135 : i1 to i32
        %cond3A_137 = arith.constant 0 : i32
        %cond3A_138 = arith.cmpi ne, %convert_element_type3A_136, %cond3A_137 : i32
        scf.if %cond3A_138 {
          %add3A_139 = arith.constant 2 : i32
          %add3A_140 = arith.addi %while3A_78, %add3A_139 : i32
          %add3A_141 = arith.addi %select_n3A, %add3A_140 : i32
          %mul3A_142 = arith.constant 128 : i32
          %mul3A_143 = arith.muli %add3A_141, %mul3A_142 : i32
          %add3A_144 = arith.constant 320000 : i32
          %add3A_145 = arith.addi %add3A_144, %mul3A_143 : i32
          %run_scoped3A_146 = arith.constant 0 : i32
          "tpu.region"() ({
            %run_scoped3A_160 = tpu.sem_alloc : memref<!tpu.dma_semaphore, #tpu.memory_space<semaphore_mem>>
            %dma_start3A_161 = arith.constant 0 : i32
            %dma_start3A_162 = tpu.memref_slice %arg9[%run_scoped3A_146, %dma_start3A_161] : memref<2x128xi32, #tpu.memory_space<vmem>> -> memref<1x128xi32, #tpu.memory_space<vmem>>
            %dma_start3A_163 = tpu.memref_squeeze %dma_start3A_162 : memref<1x128xi32, #tpu.memory_space<vmem>> -> memref<128xi32, #tpu.memory_space<vmem>>
            %dma_start3A_164 = tpu.memref_slice %arg3[%add3A_145] : memref<640000xi32, #tpu.memory_space<hbm>> -> memref<128xi32, #tpu.memory_space<hbm>>
            %dma_start3A_165 = arith.constant 0 : i32
            %dma_start3A_166 = tpu.memref_slice %arg9[%run_scoped3A_146, %dma_start3A_165] : memref<2x128xi32, #tpu.memory_space<vmem>> -> memref<1x128xi32, #tpu.memory_space<vmem>>
            %dma_start3A_167 = tpu.memref_squeeze %dma_start3A_166 : memref<1x128xi32, #tpu.memory_space<vmem>> -> memref<128xi32, #tpu.memory_space<vmem>>
            %dma_start3A_168 = tpu.memref_slice %arg3[%add3A_145] : memref<640000xi32, #tpu.memory_space<hbm>> -> memref<128xi32, #tpu.memory_space<hbm>>
            tpu.enqueue_dma source(%dma_start3A_168 : memref<128xi32, #tpu.memory_space<hbm>>) target(%dma_start3A_167 : memref<128xi32, #tpu.memory_space<vmem>>) target_semaphore(%run_scoped3A_160 : memref<!tpu.dma_semaphore, #tpu.memory_space<semaphore_mem>>)
            %dma_wait3A_169 = arith.constant 0 : i32
            %dma_wait3A_170 = tpu.memref_slice %arg9[%run_scoped3A_146, %dma_wait3A_169] : memref<2x128xi32, #tpu.memory_space<vmem>> -> memref<1x128xi32, #tpu.memory_space<vmem>>
            %dma_wait3A_171 = tpu.memref_squeeze %dma_wait3A_170 : memref<1x128xi32, #tpu.memory_space<vmem>> -> memref<128xi32, #tpu.memory_space<vmem>>
            %dma_wait3A_172 = tpu.memref_slice %arg3[%add3A_145] : memref<640000xi32, #tpu.memory_space<hbm>> -> memref<128xi32, #tpu.memory_space<hbm>>
            %dma_wait3A_173 = arith.constant 0 : i32
            %dma_wait3A_174 = tpu.memref_slice %arg9[%run_scoped3A_146, %dma_wait3A_173] : memref<2x128xi32, #tpu.memory_space<vmem>> -> memref<1x128xi32, #tpu.memory_space<vmem>>
            %dma_wait3A_175 = tpu.memref_squeeze %dma_wait3A_174 : memref<1x128xi32, #tpu.memory_space<vmem>> -> memref<128xi32, #tpu.memory_space<vmem>>
            %dma_wait3A_176 = tpu.memref_slice %arg3[%add3A_145] : memref<640000xi32, #tpu.memory_space<hbm>> -> memref<128xi32, #tpu.memory_space<hbm>>
            tpu.wait_dma2 semaphore(%run_scoped3A_160 : memref<!tpu.dma_semaphore, #tpu.memory_space<semaphore_mem>>) src(%dma_wait3A_176 : memref<128xi32, #tpu.memory_space<hbm>>) dst(%dma_wait3A_175 : memref<128xi32, #tpu.memory_space<vmem>>)
            tpu.yield
          }) : () -> ()
          %run_scoped3A_147 = arith.constant 0 : i32
          "tpu.region"() ({
            %run_scoped3A_160 = tpu.sem_alloc : memref<!tpu.dma_semaphore, #tpu.memory_space<semaphore_mem>>
            %dma_start3A_161 = arith.constant 0 : i32
            %dma_start3A_162 = tpu.memref_slice %arg10[%run_scoped3A_147, %dma_start3A_161] : memref<2x128xi32, #tpu.memory_space<vmem>> -> memref<1x128xi32, #tpu.memory_space<vmem>>
            %dma_start3A_163 = tpu.memref_squeeze %dma_start3A_162 : memref<1x128xi32, #tpu.memory_space<vmem>> -> memref<128xi32, #tpu.memory_space<vmem>>
            %dma_start3A_164 = tpu.memref_slice %arg3[%mul3A_143] : memref<640000xi32, #tpu.memory_space<hbm>> -> memref<128xi32, #tpu.memory_space<hbm>>
            %dma_start3A_165 = arith.constant 0 : i32
            %dma_start3A_166 = tpu.memref_slice %arg10[%run_scoped3A_147, %dma_start3A_165] : memref<2x128xi32, #tpu.memory_space<vmem>> -> memref<1x128xi32, #tpu.memory_space<vmem>>
            %dma_start3A_167 = tpu.memref_squeeze %dma_start3A_166 : memref<1x128xi32, #tpu.memory_space<vmem>> -> memref<128xi32, #tpu.memory_space<vmem>>
            %dma_start3A_168 = tpu.memref_slice %arg3[%mul3A_143] : memref<640000xi32, #tpu.memory_space<hbm>> -> memref<128xi32, #tpu.memory_space<hbm>>
            tpu.enqueue_dma source(%dma_start3A_168 : memref<128xi32, #tpu.memory_space<hbm>>) target(%dma_start3A_167 : memref<128xi32, #tpu.memory_space<vmem>>) target_semaphore(%run_scoped3A_160 : memref<!tpu.dma_semaphore, #tpu.memory_space<semaphore_mem>>)
            %dma_wait3A_169 = arith.constant 0 : i32
            %dma_wait3A_170 = tpu.memref_slice %arg10[%run_scoped3A_147, %dma_wait3A_169] : memref<2x128xi32, #tpu.memory_space<vmem>> -> memref<1x128xi32, #tpu.memory_space<vmem>>
            %dma_wait3A_171 = tpu.memref_squeeze %dma_wait3A_170 : memref<1x128xi32, #tpu.memory_space<vmem>> -> memref<128xi32, #tpu.memory_space<vmem>>
            %dma_wait3A_172 = tpu.memref_slice %arg3[%mul3A_143] : memref<640000xi32, #tpu.memory_space<hbm>> -> memref<128xi32, #tpu.memory_space<hbm>>
            %dma_wait3A_173 = arith.constant 0 : i32
            %dma_wait3A_174 = tpu.memref_slice %arg10[%run_scoped3A_147, %dma_wait3A_173] : memref<2x128xi32, #tpu.memory_space<vmem>> -> memref<1x128xi32, #tpu.memory_space<vmem>>
            %dma_wait3A_175 = tpu.memref_squeeze %dma_wait3A_174 : memref<1x128xi32, #tpu.memory_space<vmem>> -> memref<128xi32, #tpu.memory_space<vmem>>
            %dma_wait3A_176 = tpu.memref_slice %arg3[%mul3A_143] : memref<640000xi32, #tpu.memory_space<hbm>> -> memref<128xi32, #tpu.memory_space<hbm>>
            tpu.wait_dma2 semaphore(%run_scoped3A_160 : memref<!tpu.dma_semaphore, #tpu.memory_space<semaphore_mem>>) src(%dma_wait3A_176 : memref<128xi32, #tpu.memory_space<hbm>>) dst(%dma_wait3A_175 : memref<128xi32, #tpu.memory_space<vmem>>)
            tpu.yield
          }) : () -> ()
          %dma_start3A_148 = arith.constant 0 : i32
          %dma_start3A_149 = arith.constant 0 : i32
          %dma_start3A_150 = arith.constant 0 : i32
          %dma_start3A_151 = arith.constant 0 : i32
          %dma_start3A_152 = tpu.memref_slice %arg11[%dma_start3A_149, %dma_start3A_150, %dma_start3A_151] : memref<2x128x128xf32, #tpu.memory_space<vmem>> -> memref<1x128x128xf32, #tpu.memory_space<vmem>>
          %dma_start3A_153 = tpu.memref_squeeze %dma_start3A_152 : memref<1x128x128xf32, #tpu.memory_space<vmem>> -> memref<128x128xf32, #tpu.memory_space<vmem>>
          %dma_start3A_154 = arith.constant 0 : i32
          %dma_start3A_155 = tpu.memref_slice %arg9[%dma_start3A_148, %dma_start3A_154] : memref<2x128xi32, #tpu.memory_space<vmem>> -> memref<1x128xi32, #tpu.memory_space<vmem>>
          %dma_start3A_156 = tpu.memref_squeeze %dma_start3A_155 : memref<1x128xi32, #tpu.memory_space<vmem>> -> memref<128xi32, #tpu.memory_space<vmem>>
          %dma_start3A_157 = arith.constant 0 : i32
          %dma_start3A_158 = arith.constant 0 : i32
          %dma_start3A_159 = tpu.memref_slice %arg2[%dma_start3A_157, %dma_start3A_158] : memref<10000x128xf32, #tpu.memory_space<hbm>> -> memref<10000x128xf32, #tpu.memory_space<hbm>>
          tpu.enqueue_indirect_dma source(%dma_start3A_159 : memref<10000x128xf32, #tpu.memory_space<hbm>>) target(%dma_start3A_153 : memref<128x128xf32, #tpu.memory_space<vmem>>) offsets(%dma_start3A_156 : memref<128xi32, #tpu.memory_space<vmem>>) semaphore(%arg15 : memref<!tpu.dma_semaphore, #tpu.memory_space<semaphore_mem>>)
        } else {
        }
      } else {
      }
      %jit3A_95 = arith.constant 2 : i32
      %eq3A_96 = arith.constant 0 : i32
      %eq3A_97 = arith.cmpi eq, %jit3A_95, %eq3A_96 : i32
      %jit3A_98 = arith.constant 1 : i32
      %select_n3A_99 = arith.select %eq3A_97, %jit3A_98, %jit3A_95 : i32
      %rem3A_100 = arith.remsi %while3A_78, %select_n3A_99 : i32
      %ne3A_101 = arith.constant 0 : i32
      %ne3A_102 = arith.cmpi ne, %rem3A_100, %ne3A_101 : i32
      %lt3A_103 = arith.constant 0 : i32
      %lt3A_104 = arith.cmpi slt, %rem3A_100, %lt3A_103 : i32
      %lt3A_105 = arith.constant 0 : i32
      %lt3A_106 = arith.cmpi slt, %select_n3A_99, %lt3A_105 : i32
      %ne3A_107 = arith.xori %lt3A_104, %lt3A_106 : i1
      %and3A_108 = arith.andi %ne3A_107, %ne3A_102 : i1
      %add3A_109 = arith.addi %rem3A_100, %select_n3A_99 : i32
      %select_n3A_110 = arith.select %and3A_108, %add3A_109, %rem3A_100 : i32
      %ne3A_111 = arith.constant 0 : i32
      %ne3A_112 = arith.cmpi ne, %select_n3A_110, %ne3A_111 : i32
      %convert_element_type3A_113 = arith.extui %ne3A_112 : i1 to i32
      %cond3A_114 = arith.constant 0 : i32
      %cond3A_115 = arith.cmpi ne, %convert_element_type3A_113, %cond3A_114 : i32
      scf.if %cond3A_115 {
        %dma_wait3A = arith.constant 1 : i32
        %dma_wait3A_116 = arith.constant 0 : i32
        %dma_wait3A_117 = arith.constant 0 : i32
        %dma_wait3A_118 = tpu.memref_slice %arg11[%dma_wait3A, %dma_wait3A_116, %dma_wait3A_117] : memref<2x128x128xf32, #tpu.memory_space<vmem>> -> memref<1x128x128xf32, #tpu.memory_space<vmem>>
        %dma_wait3A_119 = tpu.memref_squeeze %dma_wait3A_118 : memref<1x128x128xf32, #tpu.memory_space<vmem>> -> memref<128x128xf32, #tpu.memory_space<vmem>>
        %dma_wait3A_120 = arith.constant 0 : i32
        %dma_wait3A_121 = arith.constant 0 : i32
        %dma_wait3A_122 = tpu.memref_slice %arg2[%dma_wait3A_120, %dma_wait3A_121] : memref<10000x128xf32, #tpu.memory_space<hbm>> -> memref<128x128xf32, #tpu.memory_space<hbm>>
        %dma_wait3A_123 = arith.constant 0 : i32
        %dma_wait3A_124 = arith.constant 0 : i32
        %dma_wait3A_125 = tpu.memref_slice %arg11[%dma_wait3A, %dma_wait3A_123, %dma_wait3A_124] : memref<2x128x128xf32, #tpu.memory_space<vmem>> -> memref<1x128x128xf32, #tpu.memory_space<vmem>>
        %dma_wait3A_126 = tpu.memref_squeeze %dma_wait3A_125 : memref<1x128x128xf32, #tpu.memory_space<vmem>> -> memref<128x128xf32, #tpu.memory_space<vmem>>
        %dma_wait3A_127 = arith.constant 0 : i32
        %dma_wait3A_128 = arith.constant 0 : i32
        %dma_wait3A_129 = tpu.memref_slice %arg2[%dma_wait3A_127, %dma_wait3A_128] : memref<10000x128xf32, #tpu.memory_space<hbm>> -> memref<128x128xf32, #tpu.memory_space<hbm>>
        tpu.wait_dma2 semaphore(%arg16 : memref<!tpu.dma_semaphore, #tpu.memory_space<semaphore_mem>>) src(%dma_wait3A_129 : memref<128x128xf32, #tpu.memory_space<hbm>>) dst(%dma_wait3A_126 : memref<128x128xf32, #tpu.memory_space<vmem>>)
        %run_scoped3A_130 = arith.constant 1 : i32
        %run_scoped3A_131 = arith.constant 1 : i32
        "tpu.region"() ({
          %run_scoped3A_139 = tpu.sem_alloc : memref<!tpu.dma_semaphore, #tpu.memory_space<semaphore_mem>>
          %dma_start3A_140 = arith.constant 0 : i32
          %dma_start3A_141 = arith.constant 0 : i32
          %dma_start3A_142 = tpu.memref_slice %arg11[%run_scoped3A_130, %dma_start3A_140, %dma_start3A_141] : memref<2x128x128xf32, #tpu.memory_space<vmem>> -> memref<1x128x128xf32, #tpu.memory_space<vmem>>
          %dma_start3A_143 = tpu.memref_squeeze %dma_start3A_142 : memref<1x128x128xf32, #tpu.memory_space<vmem>> -> memref<128x128xf32, #tpu.memory_space<vmem>>
          %dma_start3A_144 = arith.constant 0 : i32
          %dma_start3A_145 = tpu.memref_slice %arg10[%run_scoped3A_131, %dma_start3A_144] : memref<2x128xi32, #tpu.memory_space<vmem>> -> memref<1x128xi32, #tpu.memory_space<vmem>>
          %dma_start3A_146 = tpu.memref_squeeze %dma_start3A_145 : memref<1x128xi32, #tpu.memory_space<vmem>> -> memref<128xi32, #tpu.memory_space<vmem>>
          %dma_start3A_147 = arith.constant 0 : i32
          %dma_start3A_148 = arith.constant 0 : i32
          %dma_start3A_149 = tpu.memref_slice %arg13[%dma_start3A_147, %dma_start3A_148] : memref<10240x128xf32, #tpu.memory_space<vmem_shared>> -> memref<10240x128xf32, #tpu.memory_space<vmem_shared>>
          tpu.enqueue_indirect_dma source(%dma_start3A_143 : memref<128x128xf32, #tpu.memory_space<vmem>>) target(%dma_start3A_149 : memref<10240x128xf32, #tpu.memory_space<vmem_shared>>) offsets(%dma_start3A_146 : memref<128xi32, #tpu.memory_space<vmem>>) semaphore(%run_scoped3A_139 : memref<!tpu.dma_semaphore, #tpu.memory_space<semaphore_mem>>) {add = true}
          %dma_wait3A_150 = arith.constant 0 : i32
          %dma_wait3A_151 = arith.constant 0 : i32
          %dma_wait3A_152 = tpu.memref_slice %arg11[%run_scoped3A_130, %dma_wait3A_150, %dma_wait3A_151] : memref<2x128x128xf32, #tpu.memory_space<vmem>> -> memref<1x128x128xf32, #tpu.memory_space<vmem>>
          %dma_wait3A_153 = tpu.memref_squeeze %dma_wait3A_152 : memref<1x128x128xf32, #tpu.memory_space<vmem>> -> memref<128x128xf32, #tpu.memory_space<vmem>>
          %dma_wait3A_154 = arith.constant 0 : i32
          %dma_wait3A_155 = tpu.memref_slice %arg10[%run_scoped3A_131, %dma_wait3A_154] : memref<2x128xi32, #tpu.memory_space<vmem>> -> memref<1x128xi32, #tpu.memory_space<vmem>>
          %dma_wait3A_156 = tpu.memref_squeeze %dma_wait3A_155 : memref<1x128xi32, #tpu.memory_space<vmem>> -> memref<128xi32, #tpu.memory_space<vmem>>
          %dma_wait3A_157 = arith.constant 0 : i32
          %dma_wait3A_158 = arith.constant 0 : i32
          %dma_wait3A_159 = tpu.memref_slice %arg13[%dma_wait3A_157, %dma_wait3A_158] : memref<10240x128xf32, #tpu.memory_space<vmem_shared>> -> memref<10240x128xf32, #tpu.memory_space<vmem_shared>>
          tpu.wait_indirect_dma semaphore(%run_scoped3A_139 : memref<!tpu.dma_semaphore, #tpu.memory_space<semaphore_mem>>) src(%dma_wait3A_153 : memref<128x128xf32, #tpu.memory_space<vmem>>) dst(%dma_wait3A_159 : memref<10240x128xf32, #tpu.memory_space<vmem_shared>>)
          tpu.yield
        }) : () -> ()
        %run_scoped3A_132 = arith.constant 1 : i32
        "tpu.region"() ({
          %run_scoped3A_139 = tpu.sem_alloc : memref<!tpu.dma_semaphore, #tpu.memory_space<semaphore_mem>>
          %dma_start3A_140 = arith.constant 0 : i32
          %dma_start3A_141 = tpu.memref_slice %arg10[%run_scoped3A_132, %dma_start3A_140] : memref<2x128xi32, #tpu.memory_space<vmem>> -> memref<1x128xi32, #tpu.memory_space<vmem>>
          %dma_start3A_142 = tpu.memref_squeeze %dma_start3A_141 : memref<1x128xi32, #tpu.memory_space<vmem>> -> memref<128xi32, #tpu.memory_space<vmem>>
          %dma_start3A_143 = arith.constant 0 : i32
          %dma_start3A_144 = tpu.memref_slice %arg14[%dma_start3A_143] : memref<10240xf32, #tpu.memory_space<vmem_shared>> -> memref<10240xf32, #tpu.memory_space<vmem_shared>>
          tpu.enqueue_indirect_dma source(%arg12 : memref<128xf32, #tpu.memory_space<vmem>>) target(%dma_start3A_144 : memref<10240xf32, #tpu.memory_space<vmem_shared>>) offsets(%dma_start3A_142 : memref<128xi32, #tpu.memory_space<vmem>>) semaphore(%run_scoped3A_139 : memref<!tpu.dma_semaphore, #tpu.memory_space<semaphore_mem>>) {add = true}
          %dma_wait3A_145 = arith.constant 0 : i32
          %dma_wait3A_146 = tpu.memref_slice %arg10[%run_scoped3A_132, %dma_wait3A_145] : memref<2x128xi32, #tpu.memory_space<vmem>> -> memref<1x128xi32, #tpu.memory_space<vmem>>
          %dma_wait3A_147 = tpu.memref_squeeze %dma_wait3A_146 : memref<1x128xi32, #tpu.memory_space<vmem>> -> memref<128xi32, #tpu.memory_space<vmem>>
          %dma_wait3A_148 = arith.constant 0 : i32
          %dma_wait3A_149 = tpu.memref_slice %arg14[%dma_wait3A_148] : memref<10240xf32, #tpu.memory_space<vmem_shared>> -> memref<10240xf32, #tpu.memory_space<vmem_shared>>
          tpu.wait_indirect_dma semaphore(%run_scoped3A_139 : memref<!tpu.dma_semaphore, #tpu.memory_space<semaphore_mem>>) src(%arg12 : memref<128xf32, #tpu.memory_space<vmem>>) dst(%dma_wait3A_149 : memref<10240xf32, #tpu.memory_space<vmem_shared>>)
          tpu.yield
        }) : () -> ()
        %add3A_133 = arith.constant 2 : i32
        %add3A_134 = arith.addi %while3A_78, %add3A_133 : i32
        %lt3A_135 = arith.cmpi slt, %add3A_134, %select_n3A_24 : i32
        %convert_element_type3A_136 = arith.extui %lt3A_135 : i1 to i32
        %cond3A_137 = arith.constant 0 : i32
        %cond3A_138 = arith.cmpi ne, %convert_element_type3A_136, %cond3A_137 : i32
        scf.if %cond3A_138 {
          %add3A_139 = arith.constant 2 : i32
          %add3A_140 = arith.addi %while3A_78, %add3A_139 : i32
          %add3A_141 = arith.addi %select_n3A, %add3A_140 : i32
          %mul3A_142 = arith.constant 128 : i32
          %mul3A_143 = arith.muli %add3A_141, %mul3A_142 : i32
          %add3A_144 = arith.constant 320000 : i32
          %add3A_145 = arith.addi %add3A_144, %mul3A_143 : i32
          %run_scoped3A_146 = arith.constant 1 : i32
          "tpu.region"() ({
            %run_scoped3A_160 = tpu.sem_alloc : memref<!tpu.dma_semaphore, #tpu.memory_space<semaphore_mem>>
            %dma_start3A_161 = arith.constant 0 : i32
            %dma_start3A_162 = tpu.memref_slice %arg9[%run_scoped3A_146, %dma_start3A_161] : memref<2x128xi32, #tpu.memory_space<vmem>> -> memref<1x128xi32, #tpu.memory_space<vmem>>
            %dma_start3A_163 = tpu.memref_squeeze %dma_start3A_162 : memref<1x128xi32, #tpu.memory_space<vmem>> -> memref<128xi32, #tpu.memory_space<vmem>>
            %dma_start3A_164 = tpu.memref_slice %arg3[%add3A_145] : memref<640000xi32, #tpu.memory_space<hbm>> -> memref<128xi32, #tpu.memory_space<hbm>>
            %dma_start3A_165 = arith.constant 0 : i32
            %dma_start3A_166 = tpu.memref_slice %arg9[%run_scoped3A_146, %dma_start3A_165] : memref<2x128xi32, #tpu.memory_space<vmem>> -> memref<1x128xi32, #tpu.memory_space<vmem>>
            %dma_start3A_167 = tpu.memref_squeeze %dma_start3A_166 : memref<1x128xi32, #tpu.memory_space<vmem>> -> memref<128xi32, #tpu.memory_space<vmem>>
            %dma_start3A_168 = tpu.memref_slice %arg3[%add3A_145] : memref<640000xi32, #tpu.memory_space<hbm>> -> memref<128xi32, #tpu.memory_space<hbm>>
            tpu.enqueue_dma source(%dma_start3A_168 : memref<128xi32, #tpu.memory_space<hbm>>) target(%dma_start3A_167 : memref<128xi32, #tpu.memory_space<vmem>>) target_semaphore(%run_scoped3A_160 : memref<!tpu.dma_semaphore, #tpu.memory_space<semaphore_mem>>)
            %dma_wait3A_169 = arith.constant 0 : i32
            %dma_wait3A_170 = tpu.memref_slice %arg9[%run_scoped3A_146, %dma_wait3A_169] : memref<2x128xi32, #tpu.memory_space<vmem>> -> memref<1x128xi32, #tpu.memory_space<vmem>>
            %dma_wait3A_171 = tpu.memref_squeeze %dma_wait3A_170 : memref<1x128xi32, #tpu.memory_space<vmem>> -> memref<128xi32, #tpu.memory_space<vmem>>
            %dma_wait3A_172 = tpu.memref_slice %arg3[%add3A_145] : memref<640000xi32, #tpu.memory_space<hbm>> -> memref<128xi32, #tpu.memory_space<hbm>>
            %dma_wait3A_173 = arith.constant 0 : i32
            %dma_wait3A_174 = tpu.memref_slice %arg9[%run_scoped3A_146, %dma_wait3A_173] : memref<2x128xi32, #tpu.memory_space<vmem>> -> memref<1x128xi32, #tpu.memory_space<vmem>>
            %dma_wait3A_175 = tpu.memref_squeeze %dma_wait3A_174 : memref<1x128xi32, #tpu.memory_space<vmem>> -> memref<128xi32, #tpu.memory_space<vmem>>
            %dma_wait3A_176 = tpu.memref_slice %arg3[%add3A_145] : memref<640000xi32, #tpu.memory_space<hbm>> -> memref<128xi32, #tpu.memory_space<hbm>>
            tpu.wait_dma2 semaphore(%run_scoped3A_160 : memref<!tpu.dma_semaphore, #tpu.memory_space<semaphore_mem>>) src(%dma_wait3A_176 : memref<128xi32, #tpu.memory_space<hbm>>) dst(%dma_wait3A_175 : memref<128xi32, #tpu.memory_space<vmem>>)
            tpu.yield
          }) : () -> ()
          %run_scoped3A_147 = arith.constant 1 : i32
          "tpu.region"() ({
            %run_scoped3A_160 = tpu.sem_alloc : memref<!tpu.dma_semaphore, #tpu.memory_space<semaphore_mem>>
            %dma_start3A_161 = arith.constant 0 : i32
            %dma_start3A_162 = tpu.memref_slice %arg10[%run_scoped3A_147, %dma_start3A_161] : memref<2x128xi32, #tpu.memory_space<vmem>> -> memref<1x128xi32, #tpu.memory_space<vmem>>
            %dma_start3A_163 = tpu.memref_squeeze %dma_start3A_162 : memref<1x128xi32, #tpu.memory_space<vmem>> -> memref<128xi32, #tpu.memory_space<vmem>>
            %dma_start3A_164 = tpu.memref_slice %arg3[%mul3A_143] : memref<640000xi32, #tpu.memory_space<hbm>> -> memref<128xi32, #tpu.memory_space<hbm>>
            %dma_start3A_165 = arith.constant 0 : i32
            %dma_start3A_166 = tpu.memref_slice %arg10[%run_scoped3A_147, %dma_start3A_165] : memref<2x128xi32, #tpu.memory_space<vmem>> -> memref<1x128xi32, #tpu.memory_space<vmem>>
            %dma_start3A_167 = tpu.memref_squeeze %dma_start3A_166 : memref<1x128xi32, #tpu.memory_space<vmem>> -> memref<128xi32, #tpu.memory_space<vmem>>
            %dma_start3A_168 = tpu.memref_slice %arg3[%mul3A_143] : memref<640000xi32, #tpu.memory_space<hbm>> -> memref<128xi32, #tpu.memory_space<hbm>>
            tpu.enqueue_dma source(%dma_start3A_168 : memref<128xi32, #tpu.memory_space<hbm>>) target(%dma_start3A_167 : memref<128xi32, #tpu.memory_space<vmem>>) target_semaphore(%run_scoped3A_160 : memref<!tpu.dma_semaphore, #tpu.memory_space<semaphore_mem>>)
            %dma_wait3A_169 = arith.constant 0 : i32
            %dma_wait3A_170 = tpu.memref_slice %arg10[%run_scoped3A_147, %dma_wait3A_169] : memref<2x128xi32, #tpu.memory_space<vmem>> -> memref<1x128xi32, #tpu.memory_space<vmem>>
            %dma_wait3A_171 = tpu.memref_squeeze %dma_wait3A_170 : memref<1x128xi32, #tpu.memory_space<vmem>> -> memref<128xi32, #tpu.memory_space<vmem>>
            %dma_wait3A_172 = tpu.memref_slice %arg3[%mul3A_143] : memref<640000xi32, #tpu.memory_space<hbm>> -> memref<128xi32, #tpu.memory_space<hbm>>
            %dma_wait3A_173 = arith.constant 0 : i32
            %dma_wait3A_174 = tpu.memref_slice %arg10[%run_scoped3A_147, %dma_wait3A_173] : memref<2x128xi32, #tpu.memory_space<vmem>> -> memref<1x128xi32, #tpu.memory_space<vmem>>
            %dma_wait3A_175 = tpu.memref_squeeze %dma_wait3A_174 : memref<1x128xi32, #tpu.memory_space<vmem>> -> memref<128xi32, #tpu.memory_space<vmem>>
            %dma_wait3A_176 = tpu.memref_slice %arg3[%mul3A_143] : memref<640000xi32, #tpu.memory_space<hbm>> -> memref<128xi32, #tpu.memory_space<hbm>>
            tpu.wait_dma2 semaphore(%run_scoped3A_160 : memref<!tpu.dma_semaphore, #tpu.memory_space<semaphore_mem>>) src(%dma_wait3A_176 : memref<128xi32, #tpu.memory_space<hbm>>) dst(%dma_wait3A_175 : memref<128xi32, #tpu.memory_space<vmem>>)
            tpu.yield
          }) : () -> ()
          %dma_start3A_148 = arith.constant 1 : i32
          %dma_start3A_149 = arith.constant 1 : i32
          %dma_start3A_150 = arith.constant 0 : i32
          %dma_start3A_151 = arith.constant 0 : i32
          %dma_start3A_152 = tpu.memref_slice %arg11[%dma_start3A_149, %dma_start3A_150, %dma_start3A_151] : memref<2x128x128xf32, #tpu.memory_space<vmem>> -> memref<1x128x128xf32, #tpu.memory_space<vmem>>
          %dma_start3A_153 = tpu.memref_squeeze %dma_start3A_152 : memref<1x128x128xf32, #tpu.memory_space<vmem>> -> memref<128x128xf32, #tpu.memory_space<vmem>>
          %dma_start3A_154 = arith.constant 0 : i32
          %dma_start3A_155 = tpu.memref_slice %arg9[%dma_start3A_148, %dma_start3A_154] : memref<2x128xi32, #tpu.memory_space<vmem>> -> memref<1x128xi32, #tpu.memory_space<vmem>>
          %dma_start3A_156 = tpu.memref_squeeze %dma_start3A_155 : memref<1x128xi32, #tpu.memory_space<vmem>> -> memref<128xi32, #tpu.memory_space<vmem>>
          %dma_start3A_157 = arith.constant 0 : i32
          %dma_start3A_158 = arith.constant 0 : i32
          %dma_start3A_159 = tpu.memref_slice %arg2[%dma_start3A_157, %dma_start3A_158] : memref<10000x128xf32, #tpu.memory_space<hbm>> -> memref<10000x128xf32, #tpu.memory_space<hbm>>
          tpu.enqueue_indirect_dma source(%dma_start3A_159 : memref<10000x128xf32, #tpu.memory_space<hbm>>) target(%dma_start3A_153 : memref<128x128xf32, #tpu.memory_space<vmem>>) offsets(%dma_start3A_156 : memref<128xi32, #tpu.memory_space<vmem>>) semaphore(%arg16 : memref<!tpu.dma_semaphore, #tpu.memory_space<semaphore_mem>>)
        } else {
        }
      } else {
      }
    }
    %while3A_73 = arith.constant 1 : i32
    scf.for %while3A_78 = %while3A_71 to %while3A_67 step %while3A_73  : i32 {
      %jit3A_79 = arith.constant 2 : i32
      %eq3A_80 = arith.constant 0 : i32
      %eq3A_81 = arith.cmpi eq, %jit3A_79, %eq3A_80 : i32
      %jit3A_82 = arith.constant 1 : i32
      %select_n3A_83 = arith.select %eq3A_81, %jit3A_82, %jit3A_79 : i32
      %rem3A = arith.remsi %while3A_78, %select_n3A_83 : i32
      %ne3A = arith.constant 0 : i32
      %ne3A_84 = arith.cmpi ne, %rem3A, %ne3A : i32
      %lt3A_85 = arith.constant 0 : i32
      %lt3A_86 = arith.cmpi slt, %rem3A, %lt3A_85 : i32
      %lt3A_87 = arith.constant 0 : i32
      %lt3A_88 = arith.cmpi slt, %select_n3A_83, %lt3A_87 : i32
      %ne3A_89 = arith.xori %lt3A_86, %lt3A_88 : i1
      %and3A = arith.andi %ne3A_89, %ne3A_84 : i1
      %add3A_90 = arith.addi %rem3A, %select_n3A_83 : i32
      %select_n3A_91 = arith.select %and3A, %add3A_90, %rem3A : i32
      %eq3A_92 = arith.constant 0 : i32
      %eq3A_93 = arith.cmpi eq, %select_n3A_91, %eq3A_92 : i32
      %convert_element_type3A = arith.extui %eq3A_93 : i1 to i32
      %cond3A = arith.constant 0 : i32
      %cond3A_94 = arith.cmpi ne, %convert_element_type3A, %cond3A : i32
      scf.if %cond3A_94 {
        %dma_wait3A = arith.constant 0 : i32
        %dma_wait3A_116 = arith.constant 0 : i32
        %dma_wait3A_117 = arith.constant 0 : i32
        %dma_wait3A_118 = tpu.memref_slice %arg11[%dma_wait3A, %dma_wait3A_116, %dma_wait3A_117] : memref<2x128x128xf32, #tpu.memory_space<vmem>> -> memref<1x128x128xf32, #tpu.memory_space<vmem>>
        %dma_wait3A_119 = tpu.memref_squeeze %dma_wait3A_118 : memref<1x128x128xf32, #tpu.memory_space<vmem>> -> memref<128x128xf32, #tpu.memory_space<vmem>>
        %dma_wait3A_120 = arith.constant 0 : i32
        %dma_wait3A_121 = arith.constant 0 : i32
        %dma_wait3A_122 = tpu.memref_slice %arg2[%dma_wait3A_120, %dma_wait3A_121] : memref<10000x128xf32, #tpu.memory_space<hbm>> -> memref<128x128xf32, #tpu.memory_space<hbm>>
        %dma_wait3A_123 = arith.constant 0 : i32
        %dma_wait3A_124 = arith.constant 0 : i32
        %dma_wait3A_125 = tpu.memref_slice %arg11[%dma_wait3A, %dma_wait3A_123, %dma_wait3A_124] : memref<2x128x128xf32, #tpu.memory_space<vmem>> -> memref<1x128x128xf32, #tpu.memory_space<vmem>>
        %dma_wait3A_126 = tpu.memref_squeeze %dma_wait3A_125 : memref<1x128x128xf32, #tpu.memory_space<vmem>> -> memref<128x128xf32, #tpu.memory_space<vmem>>
        %dma_wait3A_127 = arith.constant 0 : i32
        %dma_wait3A_128 = arith.constant 0 : i32
        %dma_wait3A_129 = tpu.memref_slice %arg2[%dma_wait3A_127, %dma_wait3A_128] : memref<10000x128xf32, #tpu.memory_space<hbm>> -> memref<128x128xf32, #tpu.memory_space<hbm>>
        tpu.wait_dma2 semaphore(%arg15 : memref<!tpu.dma_semaphore, #tpu.memory_space<semaphore_mem>>) src(%dma_wait3A_129 : memref<128x128xf32, #tpu.memory_space<hbm>>) dst(%dma_wait3A_126 : memref<128x128xf32, #tpu.memory_space<vmem>>)
        %run_scoped3A_130 = arith.constant 0 : i32
        %run_scoped3A_131 = arith.constant 0 : i32
        "tpu.region"() ({
          %run_scoped3A_139 = tpu.sem_alloc : memref<!tpu.dma_semaphore, #tpu.memory_space<semaphore_mem>>
          %dma_start3A_140 = arith.constant 0 : i32
          %dma_start3A_141 = arith.constant 0 : i32
          %dma_start3A_142 = tpu.memref_slice %arg11[%run_scoped3A_130, %dma_start3A_140, %dma_start3A_141] : memref<2x128x128xf32, #tpu.memory_space<vmem>> -> memref<1x128x128xf32, #tpu.memory_space<vmem>>
          %dma_start3A_143 = tpu.memref_squeeze %dma_start3A_142 : memref<1x128x128xf32, #tpu.memory_space<vmem>> -> memref<128x128xf32, #tpu.memory_space<vmem>>
          %dma_start3A_144 = arith.constant 0 : i32
          %dma_start3A_145 = tpu.memref_slice %arg10[%run_scoped3A_131, %dma_start3A_144] : memref<2x128xi32, #tpu.memory_space<vmem>> -> memref<1x128xi32, #tpu.memory_space<vmem>>
          %dma_start3A_146 = tpu.memref_squeeze %dma_start3A_145 : memref<1x128xi32, #tpu.memory_space<vmem>> -> memref<128xi32, #tpu.memory_space<vmem>>
          %dma_start3A_147 = arith.constant 0 : i32
          %dma_start3A_148 = arith.constant 0 : i32
          %dma_start3A_149 = tpu.memref_slice %arg13[%dma_start3A_147, %dma_start3A_148] : memref<10240x128xf32, #tpu.memory_space<vmem_shared>> -> memref<10240x128xf32, #tpu.memory_space<vmem_shared>>
          tpu.enqueue_indirect_dma source(%dma_start3A_143 : memref<128x128xf32, #tpu.memory_space<vmem>>) target(%dma_start3A_149 : memref<10240x128xf32, #tpu.memory_space<vmem_shared>>) offsets(%dma_start3A_146 : memref<128xi32, #tpu.memory_space<vmem>>) semaphore(%run_scoped3A_139 : memref<!tpu.dma_semaphore, #tpu.memory_space<semaphore_mem>>) {add = true}
          %dma_wait3A_150 = arith.constant 0 : i32
          %dma_wait3A_151 = arith.constant 0 : i32
          %dma_wait3A_152 = tpu.memref_slice %arg11[%run_scoped3A_130, %dma_wait3A_150, %dma_wait3A_151] : memref<2x128x128xf32, #tpu.memory_space<vmem>> -> memref<1x128x128xf32, #tpu.memory_space<vmem>>
          %dma_wait3A_153 = tpu.memref_squeeze %dma_wait3A_152 : memref<1x128x128xf32, #tpu.memory_space<vmem>> -> memref<128x128xf32, #tpu.memory_space<vmem>>
          %dma_wait3A_154 = arith.constant 0 : i32
          %dma_wait3A_155 = tpu.memref_slice %arg10[%run_scoped3A_131, %dma_wait3A_154] : memref<2x128xi32, #tpu.memory_space<vmem>> -> memref<1x128xi32, #tpu.memory_space<vmem>>
          %dma_wait3A_156 = tpu.memref_squeeze %dma_wait3A_155 : memref<1x128xi32, #tpu.memory_space<vmem>> -> memref<128xi32, #tpu.memory_space<vmem>>
          %dma_wait3A_157 = arith.constant 0 : i32
          %dma_wait3A_158 = arith.constant 0 : i32
          %dma_wait3A_159 = tpu.memref_slice %arg13[%dma_wait3A_157, %dma_wait3A_158] : memref<10240x128xf32, #tpu.memory_space<vmem_shared>> -> memref<10240x128xf32, #tpu.memory_space<vmem_shared>>
          tpu.wait_indirect_dma semaphore(%run_scoped3A_139 : memref<!tpu.dma_semaphore, #tpu.memory_space<semaphore_mem>>) src(%dma_wait3A_153 : memref<128x128xf32, #tpu.memory_space<vmem>>) dst(%dma_wait3A_159 : memref<10240x128xf32, #tpu.memory_space<vmem_shared>>)
          tpu.yield
        }) : () -> ()
        %run_scoped3A_132 = arith.constant 0 : i32
        "tpu.region"() ({
          %run_scoped3A_139 = tpu.sem_alloc : memref<!tpu.dma_semaphore, #tpu.memory_space<semaphore_mem>>
          %dma_start3A_140 = arith.constant 0 : i32
          %dma_start3A_141 = tpu.memref_slice %arg10[%run_scoped3A_132, %dma_start3A_140] : memref<2x128xi32, #tpu.memory_space<vmem>> -> memref<1x128xi32, #tpu.memory_space<vmem>>
          %dma_start3A_142 = tpu.memref_squeeze %dma_start3A_141 : memref<1x128xi32, #tpu.memory_space<vmem>> -> memref<128xi32, #tpu.memory_space<vmem>>
          %dma_start3A_143 = arith.constant 0 : i32
          %dma_start3A_144 = tpu.memref_slice %arg14[%dma_start3A_143] : memref<10240xf32, #tpu.memory_space<vmem_shared>> -> memref<10240xf32, #tpu.memory_space<vmem_shared>>
          tpu.enqueue_indirect_dma source(%arg12 : memref<128xf32, #tpu.memory_space<vmem>>) target(%dma_start3A_144 : memref<10240xf32, #tpu.memory_space<vmem_shared>>) offsets(%dma_start3A_142 : memref<128xi32, #tpu.memory_space<vmem>>) semaphore(%run_scoped3A_139 : memref<!tpu.dma_semaphore, #tpu.memory_space<semaphore_mem>>) {add = true}
          %dma_wait3A_145 = arith.constant 0 : i32
          %dma_wait3A_146 = tpu.memref_slice %arg10[%run_scoped3A_132, %dma_wait3A_145] : memref<2x128xi32, #tpu.memory_space<vmem>> -> memref<1x128xi32, #tpu.memory_space<vmem>>
          %dma_wait3A_147 = tpu.memref_squeeze %dma_wait3A_146 : memref<1x128xi32, #tpu.memory_space<vmem>> -> memref<128xi32, #tpu.memory_space<vmem>>
          %dma_wait3A_148 = arith.constant 0 : i32
          %dma_wait3A_149 = tpu.memref_slice %arg14[%dma_wait3A_148] : memref<10240xf32, #tpu.memory_space<vmem_shared>> -> memref<10240xf32, #tpu.memory_space<vmem_shared>>
          tpu.wait_indirect_dma semaphore(%run_scoped3A_139 : memref<!tpu.dma_semaphore, #tpu.memory_space<semaphore_mem>>) src(%arg12 : memref<128xf32, #tpu.memory_space<vmem>>) dst(%dma_wait3A_149 : memref<10240xf32, #tpu.memory_space<vmem_shared>>)
          tpu.yield
        }) : () -> ()
        %add3A_133 = arith.constant 2 : i32
        %add3A_134 = arith.addi %while3A_78, %add3A_133 : i32
        %lt3A_135 = arith.cmpi slt, %add3A_134, %select_n3A_24 : i32
        %convert_element_type3A_136 = arith.extui %lt3A_135 : i1 to i32
        %cond3A_137 = arith.constant 0 : i32
        %cond3A_138 = arith.cmpi ne, %convert_element_type3A_136, %cond3A_137 : i32
        scf.if %cond3A_138 {
          %add3A_139 = arith.constant 2 : i32
          %add3A_140 = arith.addi %while3A_78, %add3A_139 : i32
          %add3A_141 = arith.addi %select_n3A, %add3A_140 : i32
          %mul3A_142 = arith.constant 128 : i32
          %mul3A_143 = arith.muli %add3A_141, %mul3A_142 : i32
          %add3A_144 = arith.constant 320000 : i32
          %add3A_145 = arith.addi %add3A_144, %mul3A_143 : i32
          %run_scoped3A_146 = arith.constant 0 : i32
          "tpu.region"() ({
            %run_scoped3A_160 = tpu.sem_alloc : memref<!tpu.dma_semaphore, #tpu.memory_space<semaphore_mem>>
            %dma_start3A_161 = arith.constant 0 : i32
            %dma_start3A_162 = tpu.memref_slice %arg9[%run_scoped3A_146, %dma_start3A_161] : memref<2x128xi32, #tpu.memory_space<vmem>> -> memref<1x128xi32, #tpu.memory_space<vmem>>
            %dma_start3A_163 = tpu.memref_squeeze %dma_start3A_162 : memref<1x128xi32, #tpu.memory_space<vmem>> -> memref<128xi32, #tpu.memory_space<vmem>>
            %dma_start3A_164 = tpu.memref_slice %arg3[%add3A_145] : memref<640000xi32, #tpu.memory_space<hbm>> -> memref<128xi32, #tpu.memory_space<hbm>>
            %dma_start3A_165 = arith.constant 0 : i32
            %dma_start3A_166 = tpu.memref_slice %arg9[%run_scoped3A_146, %dma_start3A_165] : memref<2x128xi32, #tpu.memory_space<vmem>> -> memref<1x128xi32, #tpu.memory_space<vmem>>
            %dma_start3A_167 = tpu.memref_squeeze %dma_start3A_166 : memref<1x128xi32, #tpu.memory_space<vmem>> -> memref<128xi32, #tpu.memory_space<vmem>>
            %dma_start3A_168 = tpu.memref_slice %arg3[%add3A_145] : memref<640000xi32, #tpu.memory_space<hbm>> -> memref<128xi32, #tpu.memory_space<hbm>>
            tpu.enqueue_dma source(%dma_start3A_168 : memref<128xi32, #tpu.memory_space<hbm>>) target(%dma_start3A_167 : memref<128xi32, #tpu.memory_space<vmem>>) target_semaphore(%run_scoped3A_160 : memref<!tpu.dma_semaphore, #tpu.memory_space<semaphore_mem>>)
            %dma_wait3A_169 = arith.constant 0 : i32
            %dma_wait3A_170 = tpu.memref_slice %arg9[%run_scoped3A_146, %dma_wait3A_169] : memref<2x128xi32, #tpu.memory_space<vmem>> -> memref<1x128xi32, #tpu.memory_space<vmem>>
            %dma_wait3A_171 = tpu.memref_squeeze %dma_wait3A_170 : memref<1x128xi32, #tpu.memory_space<vmem>> -> memref<128xi32, #tpu.memory_space<vmem>>
            %dma_wait3A_172 = tpu.memref_slice %arg3[%add3A_145] : memref<640000xi32, #tpu.memory_space<hbm>> -> memref<128xi32, #tpu.memory_space<hbm>>
            %dma_wait3A_173 = arith.constant 0 : i32
            %dma_wait3A_174 = tpu.memref_slice %arg9[%run_scoped3A_146, %dma_wait3A_173] : memref<2x128xi32, #tpu.memory_space<vmem>> -> memref<1x128xi32, #tpu.memory_space<vmem>>
            %dma_wait3A_175 = tpu.memref_squeeze %dma_wait3A_174 : memref<1x128xi32, #tpu.memory_space<vmem>> -> memref<128xi32, #tpu.memory_space<vmem>>
            %dma_wait3A_176 = tpu.memref_slice %arg3[%add3A_145] : memref<640000xi32, #tpu.memory_space<hbm>> -> memref<128xi32, #tpu.memory_space<hbm>>
            tpu.wait_dma2 semaphore(%run_scoped3A_160 : memref<!tpu.dma_semaphore, #tpu.memory_space<semaphore_mem>>) src(%dma_wait3A_176 : memref<128xi32, #tpu.memory_space<hbm>>) dst(%dma_wait3A_175 : memref<128xi32, #tpu.memory_space<vmem>>)
            tpu.yield
          }) : () -> ()
          %run_scoped3A_147 = arith.constant 0 : i32
          "tpu.region"() ({
            %run_scoped3A_160 = tpu.sem_alloc : memref<!tpu.dma_semaphore, #tpu.memory_space<semaphore_mem>>
            %dma_start3A_161 = arith.constant 0 : i32
            %dma_start3A_162 = tpu.memref_slice %arg10[%run_scoped3A_147, %dma_start3A_161] : memref<2x128xi32, #tpu.memory_space<vmem>> -> memref<1x128xi32, #tpu.memory_space<vmem>>
            %dma_start3A_163 = tpu.memref_squeeze %dma_start3A_162 : memref<1x128xi32, #tpu.memory_space<vmem>> -> memref<128xi32, #tpu.memory_space<vmem>>
            %dma_start3A_164 = tpu.memref_slice %arg3[%mul3A_143] : memref<640000xi32, #tpu.memory_space<hbm>> -> memref<128xi32, #tpu.memory_space<hbm>>
            %dma_start3A_165 = arith.constant 0 : i32
            %dma_start3A_166 = tpu.memref_slice %arg10[%run_scoped3A_147, %dma_start3A_165] : memref<2x128xi32, #tpu.memory_space<vmem>> -> memref<1x128xi32, #tpu.memory_space<vmem>>
            %dma_start3A_167 = tpu.memref_squeeze %dma_start3A_166 : memref<1x128xi32, #tpu.memory_space<vmem>> -> memref<128xi32, #tpu.memory_space<vmem>>
            %dma_start3A_168 = tpu.memref_slice %arg3[%mul3A_143] : memref<640000xi32, #tpu.memory_space<hbm>> -> memref<128xi32, #tpu.memory_space<hbm>>
            tpu.enqueue_dma source(%dma_start3A_168 : memref<128xi32, #tpu.memory_space<hbm>>) target(%dma_start3A_167 : memref<128xi32, #tpu.memory_space<vmem>>) target_semaphore(%run_scoped3A_160 : memref<!tpu.dma_semaphore, #tpu.memory_space<semaphore_mem>>)
            %dma_wait3A_169 = arith.constant 0 : i32
            %dma_wait3A_170 = tpu.memref_slice %arg10[%run_scoped3A_147, %dma_wait3A_169] : memref<2x128xi32, #tpu.memory_space<vmem>> -> memref<1x128xi32, #tpu.memory_space<vmem>>
            %dma_wait3A_171 = tpu.memref_squeeze %dma_wait3A_170 : memref<1x128xi32, #tpu.memory_space<vmem>> -> memref<128xi32, #tpu.memory_space<vmem>>
            %dma_wait3A_172 = tpu.memref_slice %arg3[%mul3A_143] : memref<640000xi32, #tpu.memory_space<hbm>> -> memref<128xi32, #tpu.memory_space<hbm>>
            %dma_wait3A_173 = arith.constant 0 : i32
            %dma_wait3A_174 = tpu.memref_slice %arg10[%run_scoped3A_147, %dma_wait3A_173] : memref<2x128xi32, #tpu.memory_space<vmem>> -> memref<1x128xi32, #tpu.memory_space<vmem>>
            %dma_wait3A_175 = tpu.memref_squeeze %dma_wait3A_174 : memref<1x128xi32, #tpu.memory_space<vmem>> -> memref<128xi32, #tpu.memory_space<vmem>>
            %dma_wait3A_176 = tpu.memref_slice %arg3[%mul3A_143] : memref<640000xi32, #tpu.memory_space<hbm>> -> memref<128xi32, #tpu.memory_space<hbm>>
            tpu.wait_dma2 semaphore(%run_scoped3A_160 : memref<!tpu.dma_semaphore, #tpu.memory_space<semaphore_mem>>) src(%dma_wait3A_176 : memref<128xi32, #tpu.memory_space<hbm>>) dst(%dma_wait3A_175 : memref<128xi32, #tpu.memory_space<vmem>>)
            tpu.yield
          }) : () -> ()
          %dma_start3A_148 = arith.constant 0 : i32
          %dma_start3A_149 = arith.constant 0 : i32
          %dma_start3A_150 = arith.constant 0 : i32
          %dma_start3A_151 = arith.constant 0 : i32
          %dma_start3A_152 = tpu.memref_slice %arg11[%dma_start3A_149, %dma_start3A_150, %dma_start3A_151] : memref<2x128x128xf32, #tpu.memory_space<vmem>> -> memref<1x128x128xf32, #tpu.memory_space<vmem>>
          %dma_start3A_153 = tpu.memref_squeeze %dma_start3A_152 : memref<1x128x128xf32, #tpu.memory_space<vmem>> -> memref<128x128xf32, #tpu.memory_space<vmem>>
          %dma_start3A_154 = arith.constant 0 : i32
          %dma_start3A_155 = tpu.memref_slice %arg9[%dma_start3A_148, %dma_start3A_154] : memref<2x128xi32, #tpu.memory_space<vmem>> -> memref<1x128xi32, #tpu.memory_space<vmem>>
          %dma_start3A_156 = tpu.memref_squeeze %dma_start3A_155 : memref<1x128xi32, #tpu.memory_space<vmem>> -> memref<128xi32, #tpu.memory_space<vmem>>
          %dma_start3A_157 = arith.constant 0 : i32
          %dma_start3A_158 = arith.constant 0 : i32
          %dma_start3A_159 = tpu.memref_slice %arg2[%dma_start3A_157, %dma_start3A_158] : memref<10000x128xf32, #tpu.memory_space<hbm>> -> memref<10000x128xf32, #tpu.memory_space<hbm>>
          tpu.enqueue_indirect_dma source(%dma_start3A_159 : memref<10000x128xf32, #tpu.memory_space<hbm>>) target(%dma_start3A_153 : memref<128x128xf32, #tpu.memory_space<vmem>>) offsets(%dma_start3A_156 : memref<128xi32, #tpu.memory_space<vmem>>) semaphore(%arg15 : memref<!tpu.dma_semaphore, #tpu.memory_space<semaphore_mem>>)
        } else {
        }
      } else {
      }
      %jit3A_95 = arith.constant 2 : i32
      %eq3A_96 = arith.constant 0 : i32
      %eq3A_97 = arith.cmpi eq, %jit3A_95, %eq3A_96 : i32
      %jit3A_98 = arith.constant 1 : i32
      %select_n3A_99 = arith.select %eq3A_97, %jit3A_98, %jit3A_95 : i32
      %rem3A_100 = arith.remsi %while3A_78, %select_n3A_99 : i32
      %ne3A_101 = arith.constant 0 : i32
      %ne3A_102 = arith.cmpi ne, %rem3A_100, %ne3A_101 : i32
      %lt3A_103 = arith.constant 0 : i32
      %lt3A_104 = arith.cmpi slt, %rem3A_100, %lt3A_103 : i32
      %lt3A_105 = arith.constant 0 : i32
      %lt3A_106 = arith.cmpi slt, %select_n3A_99, %lt3A_105 : i32
      %ne3A_107 = arith.xori %lt3A_104, %lt3A_106 : i1
      %and3A_108 = arith.andi %ne3A_107, %ne3A_102 : i1
      %add3A_109 = arith.addi %rem3A_100, %select_n3A_99 : i32
      %select_n3A_110 = arith.select %and3A_108, %add3A_109, %rem3A_100 : i32
      %ne3A_111 = arith.constant 0 : i32
      %ne3A_112 = arith.cmpi ne, %select_n3A_110, %ne3A_111 : i32
      %convert_element_type3A_113 = arith.extui %ne3A_112 : i1 to i32
      %cond3A_114 = arith.constant 0 : i32
      %cond3A_115 = arith.cmpi ne, %convert_element_type3A_113, %cond3A_114 : i32
      scf.if %cond3A_115 {
        %dma_wait3A = arith.constant 1 : i32
        %dma_wait3A_116 = arith.constant 0 : i32
        %dma_wait3A_117 = arith.constant 0 : i32
        %dma_wait3A_118 = tpu.memref_slice %arg11[%dma_wait3A, %dma_wait3A_116, %dma_wait3A_117] : memref<2x128x128xf32, #tpu.memory_space<vmem>> -> memref<1x128x128xf32, #tpu.memory_space<vmem>>
        %dma_wait3A_119 = tpu.memref_squeeze %dma_wait3A_118 : memref<1x128x128xf32, #tpu.memory_space<vmem>> -> memref<128x128xf32, #tpu.memory_space<vmem>>
        %dma_wait3A_120 = arith.constant 0 : i32
        %dma_wait3A_121 = arith.constant 0 : i32
        %dma_wait3A_122 = tpu.memref_slice %arg2[%dma_wait3A_120, %dma_wait3A_121] : memref<10000x128xf32, #tpu.memory_space<hbm>> -> memref<128x128xf32, #tpu.memory_space<hbm>>
        %dma_wait3A_123 = arith.constant 0 : i32
        %dma_wait3A_124 = arith.constant 0 : i32
        %dma_wait3A_125 = tpu.memref_slice %arg11[%dma_wait3A, %dma_wait3A_123, %dma_wait3A_124] : memref<2x128x128xf32, #tpu.memory_space<vmem>> -> memref<1x128x128xf32, #tpu.memory_space<vmem>>
        %dma_wait3A_126 = tpu.memref_squeeze %dma_wait3A_125 : memref<1x128x128xf32, #tpu.memory_space<vmem>> -> memref<128x128xf32, #tpu.memory_space<vmem>>
        %dma_wait3A_127 = arith.constant 0 : i32
        %dma_wait3A_128 = arith.constant 0 : i32
        %dma_wait3A_129 = tpu.memref_slice %arg2[%dma_wait3A_127, %dma_wait3A_128] : memref<10000x128xf32, #tpu.memory_space<hbm>> -> memref<128x128xf32, #tpu.memory_space<hbm>>
        tpu.wait_dma2 semaphore(%arg16 : memref<!tpu.dma_semaphore, #tpu.memory_space<semaphore_mem>>) src(%dma_wait3A_129 : memref<128x128xf32, #tpu.memory_space<hbm>>) dst(%dma_wait3A_126 : memref<128x128xf32, #tpu.memory_space<vmem>>)
        %run_scoped3A_130 = arith.constant 1 : i32
        %run_scoped3A_131 = arith.constant 1 : i32
        "tpu.region"() ({
          %run_scoped3A_139 = tpu.sem_alloc : memref<!tpu.dma_semaphore, #tpu.memory_space<semaphore_mem>>
          %dma_start3A_140 = arith.constant 0 : i32
          %dma_start3A_141 = arith.constant 0 : i32
          %dma_start3A_142 = tpu.memref_slice %arg11[%run_scoped3A_130, %dma_start3A_140, %dma_start3A_141] : memref<2x128x128xf32, #tpu.memory_space<vmem>> -> memref<1x128x128xf32, #tpu.memory_space<vmem>>
          %dma_start3A_143 = tpu.memref_squeeze %dma_start3A_142 : memref<1x128x128xf32, #tpu.memory_space<vmem>> -> memref<128x128xf32, #tpu.memory_space<vmem>>
          %dma_start3A_144 = arith.constant 0 : i32
          %dma_start3A_145 = tpu.memref_slice %arg10[%run_scoped3A_131, %dma_start3A_144] : memref<2x128xi32, #tpu.memory_space<vmem>> -> memref<1x128xi32, #tpu.memory_space<vmem>>
          %dma_start3A_146 = tpu.memref_squeeze %dma_start3A_145 : memref<1x128xi32, #tpu.memory_space<vmem>> -> memref<128xi32, #tpu.memory_space<vmem>>
          %dma_start3A_147 = arith.constant 0 : i32
          %dma_start3A_148 = arith.constant 0 : i32
          %dma_start3A_149 = tpu.memref_slice %arg13[%dma_start3A_147, %dma_start3A_148] : memref<10240x128xf32, #tpu.memory_space<vmem_shared>> -> memref<10240x128xf32, #tpu.memory_space<vmem_shared>>
          tpu.enqueue_indirect_dma source(%dma_start3A_143 : memref<128x128xf32, #tpu.memory_space<vmem>>) target(%dma_start3A_149 : memref<10240x128xf32, #tpu.memory_space<vmem_shared>>) offsets(%dma_start3A_146 : memref<128xi32, #tpu.memory_space<vmem>>) semaphore(%run_scoped3A_139 : memref<!tpu.dma_semaphore, #tpu.memory_space<semaphore_mem>>) {add = true}
          %dma_wait3A_150 = arith.constant 0 : i32
          %dma_wait3A_151 = arith.constant 0 : i32
          %dma_wait3A_152 = tpu.memref_slice %arg11[%run_scoped3A_130, %dma_wait3A_150, %dma_wait3A_151] : memref<2x128x128xf32, #tpu.memory_space<vmem>> -> memref<1x128x128xf32, #tpu.memory_space<vmem>>
          %dma_wait3A_153 = tpu.memref_squeeze %dma_wait3A_152 : memref<1x128x128xf32, #tpu.memory_space<vmem>> -> memref<128x128xf32, #tpu.memory_space<vmem>>
          %dma_wait3A_154 = arith.constant 0 : i32
          %dma_wait3A_155 = tpu.memref_slice %arg10[%run_scoped3A_131, %dma_wait3A_154] : memref<2x128xi32, #tpu.memory_space<vmem>> -> memref<1x128xi32, #tpu.memory_space<vmem>>
          %dma_wait3A_156 = tpu.memref_squeeze %dma_wait3A_155 : memref<1x128xi32, #tpu.memory_space<vmem>> -> memref<128xi32, #tpu.memory_space<vmem>>
          %dma_wait3A_157 = arith.constant 0 : i32
          %dma_wait3A_158 = arith.constant 0 : i32
          %dma_wait3A_159 = tpu.memref_slice %arg13[%dma_wait3A_157, %dma_wait3A_158] : memref<10240x128xf32, #tpu.memory_space<vmem_shared>> -> memref<10240x128xf32, #tpu.memory_space<vmem_shared>>
          tpu.wait_indirect_dma semaphore(%run_scoped3A_139 : memref<!tpu.dma_semaphore, #tpu.memory_space<semaphore_mem>>) src(%dma_wait3A_153 : memref<128x128xf32, #tpu.memory_space<vmem>>) dst(%dma_wait3A_159 : memref<10240x128xf32, #tpu.memory_space<vmem_shared>>)
          tpu.yield
        }) : () -> ()
        %run_scoped3A_132 = arith.constant 1 : i32
        "tpu.region"() ({
          %run_scoped3A_139 = tpu.sem_alloc : memref<!tpu.dma_semaphore, #tpu.memory_space<semaphore_mem>>
          %dma_start3A_140 = arith.constant 0 : i32
          %dma_start3A_141 = tpu.memref_slice %arg10[%run_scoped3A_132, %dma_start3A_140] : memref<2x128xi32, #tpu.memory_space<vmem>> -> memref<1x128xi32, #tpu.memory_space<vmem>>
          %dma_start3A_142 = tpu.memref_squeeze %dma_start3A_141 : memref<1x128xi32, #tpu.memory_space<vmem>> -> memref<128xi32, #tpu.memory_space<vmem>>
          %dma_start3A_143 = arith.constant 0 : i32
          %dma_start3A_144 = tpu.memref_slice %arg14[%dma_start3A_143] : memref<10240xf32, #tpu.memory_space<vmem_shared>> -> memref<10240xf32, #tpu.memory_space<vmem_shared>>
          tpu.enqueue_indirect_dma source(%arg12 : memref<128xf32, #tpu.memory_space<vmem>>) target(%dma_start3A_144 : memref<10240xf32, #tpu.memory_space<vmem_shared>>) offsets(%dma_start3A_142 : memref<128xi32, #tpu.memory_space<vmem>>) semaphore(%run_scoped3A_139 : memref<!tpu.dma_semaphore, #tpu.memory_space<semaphore_mem>>) {add = true}
          %dma_wait3A_145 = arith.constant 0 : i32
          %dma_wait3A_146 = tpu.memref_slice %arg10[%run_scoped3A_132, %dma_wait3A_145] : memref<2x128xi32, #tpu.memory_space<vmem>> -> memref<1x128xi32, #tpu.memory_space<vmem>>
          %dma_wait3A_147 = tpu.memref_squeeze %dma_wait3A_146 : memref<1x128xi32, #tpu.memory_space<vmem>> -> memref<128xi32, #tpu.memory_space<vmem>>
          %dma_wait3A_148 = arith.constant 0 : i32
          %dma_wait3A_149 = tpu.memref_slice %arg14[%dma_wait3A_148] : memref<10240xf32, #tpu.memory_space<vmem_shared>> -> memref<10240xf32, #tpu.memory_space<vmem_shared>>
          tpu.wait_indirect_dma semaphore(%run_scoped3A_139 : memref<!tpu.dma_semaphore, #tpu.memory_space<semaphore_mem>>) src(%arg12 : memref<128xf32, #tpu.memory_space<vmem>>) dst(%dma_wait3A_149 : memref<10240xf32, #tpu.memory_space<vmem_shared>>)
          tpu.yield
        }) : () -> ()
        %add3A_133 = arith.constant 2 : i32
        %add3A_134 = arith.addi %while3A_78, %add3A_133 : i32
        %lt3A_135 = arith.cmpi slt, %add3A_134, %select_n3A_24 : i32
        %convert_element_type3A_136 = arith.extui %lt3A_135 : i1 to i32
        %cond3A_137 = arith.constant 0 : i32
        %cond3A_138 = arith.cmpi ne, %convert_element_type3A_136, %cond3A_137 : i32
        scf.if %cond3A_138 {
          %add3A_139 = arith.constant 2 : i32
          %add3A_140 = arith.addi %while3A_78, %add3A_139 : i32
          %add3A_141 = arith.addi %select_n3A, %add3A_140 : i32
          %mul3A_142 = arith.constant 128 : i32
          %mul3A_143 = arith.muli %add3A_141, %mul3A_142 : i32
          %add3A_144 = arith.constant 320000 : i32
          %add3A_145 = arith.addi %add3A_144, %mul3A_143 : i32
          %run_scoped3A_146 = arith.constant 1 : i32
          "tpu.region"() ({
            %run_scoped3A_160 = tpu.sem_alloc : memref<!tpu.dma_semaphore, #tpu.memory_space<semaphore_mem>>
            %dma_start3A_161 = arith.constant 0 : i32
            %dma_start3A_162 = tpu.memref_slice %arg9[%run_scoped3A_146, %dma_start3A_161] : memref<2x128xi32, #tpu.memory_space<vmem>> -> memref<1x128xi32, #tpu.memory_space<vmem>>
            %dma_start3A_163 = tpu.memref_squeeze %dma_start3A_162 : memref<1x128xi32, #tpu.memory_space<vmem>> -> memref<128xi32, #tpu.memory_space<vmem>>
            %dma_start3A_164 = tpu.memref_slice %arg3[%add3A_145] : memref<640000xi32, #tpu.memory_space<hbm>> -> memref<128xi32, #tpu.memory_space<hbm>>
            %dma_start3A_165 = arith.constant 0 : i32
            %dma_start3A_166 = tpu.memref_slice %arg9[%run_scoped3A_146, %dma_start3A_165] : memref<2x128xi32, #tpu.memory_space<vmem>> -> memref<1x128xi32, #tpu.memory_space<vmem>>
            %dma_start3A_167 = tpu.memref_squeeze %dma_start3A_166 : memref<1x128xi32, #tpu.memory_space<vmem>> -> memref<128xi32, #tpu.memory_space<vmem>>
            %dma_start3A_168 = tpu.memref_slice %arg3[%add3A_145] : memref<640000xi32, #tpu.memory_space<hbm>> -> memref<128xi32, #tpu.memory_space<hbm>>
            tpu.enqueue_dma source(%dma_start3A_168 : memref<128xi32, #tpu.memory_space<hbm>>) target(%dma_start3A_167 : memref<128xi32, #tpu.memory_space<vmem>>) target_semaphore(%run_scoped3A_160 : memref<!tpu.dma_semaphore, #tpu.memory_space<semaphore_mem>>)
            %dma_wait3A_169 = arith.constant 0 : i32
            %dma_wait3A_170 = tpu.memref_slice %arg9[%run_scoped3A_146, %dma_wait3A_169] : memref<2x128xi32, #tpu.memory_space<vmem>> -> memref<1x128xi32, #tpu.memory_space<vmem>>
            %dma_wait3A_171 = tpu.memref_squeeze %dma_wait3A_170 : memref<1x128xi32, #tpu.memory_space<vmem>> -> memref<128xi32, #tpu.memory_space<vmem>>
            %dma_wait3A_172 = tpu.memref_slice %arg3[%add3A_145] : memref<640000xi32, #tpu.memory_space<hbm>> -> memref<128xi32, #tpu.memory_space<hbm>>
            %dma_wait3A_173 = arith.constant 0 : i32
            %dma_wait3A_174 = tpu.memref_slice %arg9[%run_scoped3A_146, %dma_wait3A_173] : memref<2x128xi32, #tpu.memory_space<vmem>> -> memref<1x128xi32, #tpu.memory_space<vmem>>
            %dma_wait3A_175 = tpu.memref_squeeze %dma_wait3A_174 : memref<1x128xi32, #tpu.memory_space<vmem>> -> memref<128xi32, #tpu.memory_space<vmem>>
            %dma_wait3A_176 = tpu.memref_slice %arg3[%add3A_145] : memref<640000xi32, #tpu.memory_space<hbm>> -> memref<128xi32, #tpu.memory_space<hbm>>
            tpu.wait_dma2 semaphore(%run_scoped3A_160 : memref<!tpu.dma_semaphore, #tpu.memory_space<semaphore_mem>>) src(%dma_wait3A_176 : memref<128xi32, #tpu.memory_space<hbm>>) dst(%dma_wait3A_175 : memref<128xi32, #tpu.memory_space<vmem>>)
            tpu.yield
          }) : () -> ()
          %run_scoped3A_147 = arith.constant 1 : i32
          "tpu.region"() ({
            %run_scoped3A_160 = tpu.sem_alloc : memref<!tpu.dma_semaphore, #tpu.memory_space<semaphore_mem>>
            %dma_start3A_161 = arith.constant 0 : i32
            %dma_start3A_162 = tpu.memref_slice %arg10[%run_scoped3A_147, %dma_start3A_161] : memref<2x128xi32, #tpu.memory_space<vmem>> -> memref<1x128xi32, #tpu.memory_space<vmem>>
            %dma_start3A_163 = tpu.memref_squeeze %dma_start3A_162 : memref<1x128xi32, #tpu.memory_space<vmem>> -> memref<128xi32, #tpu.memory_space<vmem>>
            %dma_start3A_164 = tpu.memref_slice %arg3[%mul3A_143] : memref<640000xi32, #tpu.memory_space<hbm>> -> memref<128xi32, #tpu.memory_space<hbm>>
            %dma_start3A_165 = arith.constant 0 : i32
            %dma_start3A_166 = tpu.memref_slice %arg10[%run_scoped3A_147, %dma_start3A_165] : memref<2x128xi32, #tpu.memory_space<vmem>> -> memref<1x128xi32, #tpu.memory_space<vmem>>
            %dma_start3A_167 = tpu.memref_squeeze %dma_start3A_166 : memref<1x128xi32, #tpu.memory_space<vmem>> -> memref<128xi32, #tpu.memory_space<vmem>>
            %dma_start3A_168 = tpu.memref_slice %arg3[%mul3A_143] : memref<640000xi32, #tpu.memory_space<hbm>> -> memref<128xi32, #tpu.memory_space<hbm>>
            tpu.enqueue_dma source(%dma_start3A_168 : memref<128xi32, #tpu.memory_space<hbm>>) target(%dma_start3A_167 : memref<128xi32, #tpu.memory_space<vmem>>) target_semaphore(%run_scoped3A_160 : memref<!tpu.dma_semaphore, #tpu.memory_space<semaphore_mem>>)
            %dma_wait3A_169 = arith.constant 0 : i32
            %dma_wait3A_170 = tpu.memref_slice %arg10[%run_scoped3A_147, %dma_wait3A_169] : memref<2x128xi32, #tpu.memory_space<vmem>> -> memref<1x128xi32, #tpu.memory_space<vmem>>
            %dma_wait3A_171 = tpu.memref_squeeze %dma_wait3A_170 : memref<1x128xi32, #tpu.memory_space<vmem>> -> memref<128xi32, #tpu.memory_space<vmem>>
            %dma_wait3A_172 = tpu.memref_slice %arg3[%mul3A_143] : memref<640000xi32, #tpu.memory_space<hbm>> -> memref<128xi32, #tpu.memory_space<hbm>>
            %dma_wait3A_173 = arith.constant 0 : i32
            %dma_wait3A_174 = tpu.memref_slice %arg10[%run_scoped3A_147, %dma_wait3A_173] : memref<2x128xi32, #tpu.memory_space<vmem>> -> memref<1x128xi32, #tpu.memory_space<vmem>>
            %dma_wait3A_175 = tpu.memref_squeeze %dma_wait3A_174 : memref<1x128xi32, #tpu.memory_space<vmem>> -> memref<128xi32, #tpu.memory_space<vmem>>
            %dma_wait3A_176 = tpu.memref_slice %arg3[%mul3A_143] : memref<640000xi32, #tpu.memory_space<hbm>> -> memref<128xi32, #tpu.memory_space<hbm>>
            tpu.wait_dma2 semaphore(%run_scoped3A_160 : memref<!tpu.dma_semaphore, #tpu.memory_space<semaphore_mem>>) src(%dma_wait3A_176 : memref<128xi32, #tpu.memory_space<hbm>>) dst(%dma_wait3A_175 : memref<128xi32, #tpu.memory_space<vmem>>)
            tpu.yield
          }) : () -> ()
          %dma_start3A_148 = arith.constant 1 : i32
          %dma_start3A_149 = arith.constant 1 : i32
          %dma_start3A_150 = arith.constant 0 : i32
          %dma_start3A_151 = arith.constant 0 : i32
          %dma_start3A_152 = tpu.memref_slice %arg11[%dma_start3A_149, %dma_start3A_150, %dma_start3A_151] : memref<2x128x128xf32, #tpu.memory_space<vmem>> -> memref<1x128x128xf32, #tpu.memory_space<vmem>>
          %dma_start3A_153 = tpu.memref_squeeze %dma_start3A_152 : memref<1x128x128xf32, #tpu.memory_space<vmem>> -> memref<128x128xf32, #tpu.memory_space<vmem>>
          %dma_start3A_154 = arith.constant 0 : i32
          %dma_start3A_155 = tpu.memref_slice %arg9[%dma_start3A_148, %dma_start3A_154] : memref<2x128xi32, #tpu.memory_space<vmem>> -> memref<1x128xi32, #tpu.memory_space<vmem>>
          %dma_start3A_156 = tpu.memref_squeeze %dma_start3A_155 : memref<1x128xi32, #tpu.memory_space<vmem>> -> memref<128xi32, #tpu.memory_space<vmem>>
          %dma_start3A_157 = arith.constant 0 : i32
          %dma_start3A_158 = arith.constant 0 : i32
          %dma_start3A_159 = tpu.memref_slice %arg2[%dma_start3A_157, %dma_start3A_158] : memref<10000x128xf32, #tpu.memory_space<hbm>> -> memref<10000x128xf32, #tpu.memory_space<hbm>>
          tpu.enqueue_indirect_dma source(%dma_start3A_159 : memref<10000x128xf32, #tpu.memory_space<hbm>>) target(%dma_start3A_153 : memref<128x128xf32, #tpu.memory_space<vmem>>) offsets(%dma_start3A_156 : memref<128xi32, #tpu.memory_space<vmem>>) semaphore(%arg16 : memref<!tpu.dma_semaphore, #tpu.memory_space<semaphore_mem>>)
        } else {
        }
      } else {
      }
    }
    %barrier3A_74 = arith.constant 0 : index
    tpu.barrier barrier_id(%barrier3A_74)
    "tpu.region"() ({
      %run_scoped3A_78 = tpu.sem_alloc : memref<!tpu.dma_semaphore, #tpu.memory_space<semaphore_mem>>
      %dma_start3A_79 = arith.constant 0 : i32
      %dma_start3A_80 = tpu.memref_slice %arg7[%arg0, %mul3A_26, %dma_start3A_79] : memref<2x10240x128xf32, #tpu.memory_space<hbm>> -> memref<1x640x128xf32, #tpu.memory_space<hbm>>
      %dma_start3A_81 = tpu.memref_squeeze %dma_start3A_80 : memref<1x640x128xf32, #tpu.memory_space<hbm>> -> memref<640x128xf32, #tpu.memory_space<hbm>>
      %dma_start3A_82 = arith.constant 0 : i32
      %dma_start3A_83 = tpu.memref_slice %arg13[%mul3A_26, %dma_start3A_82] : memref<10240x128xf32, #tpu.memory_space<vmem_shared>> -> memref<640x128xf32, #tpu.memory_space<vmem_shared>>
      tpu.enqueue_dma source(%dma_start3A_83 : memref<640x128xf32, #tpu.memory_space<vmem_shared>>) target(%dma_start3A_81 : memref<640x128xf32, #tpu.memory_space<hbm>>) target_semaphore(%run_scoped3A_78 : memref<!tpu.dma_semaphore, #tpu.memory_space<semaphore_mem>>)
      %dma_wait3A = arith.constant 0 : i32
      %dma_wait3A_84 = tpu.memref_slice %arg7[%arg0, %mul3A_26, %dma_wait3A] : memref<2x10240x128xf32, #tpu.memory_space<hbm>> -> memref<1x640x128xf32, #tpu.memory_space<hbm>>
      %dma_wait3A_85 = tpu.memref_squeeze %dma_wait3A_84 : memref<1x640x128xf32, #tpu.memory_space<hbm>> -> memref<640x128xf32, #tpu.memory_space<hbm>>
      %dma_wait3A_86 = arith.constant 0 : i32
      %dma_wait3A_87 = tpu.memref_slice %arg13[%mul3A_26, %dma_wait3A_86] : memref<10240x128xf32, #tpu.memory_space<vmem_shared>> -> memref<640x128xf32, #tpu.memory_space<vmem_shared>>
      tpu.wait_dma2 semaphore(%run_scoped3A_78 : memref<!tpu.dma_semaphore, #tpu.memory_space<semaphore_mem>>) src(%dma_wait3A_87 : memref<640x128xf32, #tpu.memory_space<vmem_shared>>) dst(%dma_wait3A_85 : memref<640x128xf32, #tpu.memory_space<hbm>>)
      tpu.yield
    }) : () -> ()
    %mul3A_75 = arith.constant 10240 : i32
    %mul3A_76 = arith.muli %arg0, %mul3A_75 : i32
    %add3A_77 = arith.addi %mul3A_76, %mul3A_26 : i32
    "tpu.region"() ({
      %run_scoped3A_78 = tpu.sem_alloc : memref<!tpu.dma_semaphore, #tpu.memory_space<semaphore_mem>>
      %dma_start3A_79 = tpu.memref_slice %arg8[%add3A_77] : memref<20480xf32, #tpu.memory_space<hbm>> -> memref<640xf32, #tpu.memory_space<hbm>>
      %dma_start3A_80 = tpu.memref_slice %arg14[%mul3A_26] : memref<10240xf32, #tpu.memory_space<vmem_shared>> -> memref<640xf32, #tpu.memory_space<vmem_shared>>
      tpu.enqueue_dma source(%dma_start3A_80 : memref<640xf32, #tpu.memory_space<vmem_shared>>) target(%dma_start3A_79 : memref<640xf32, #tpu.memory_space<hbm>>) target_semaphore(%run_scoped3A_78 : memref<!tpu.dma_semaphore, #tpu.memory_space<semaphore_mem>>)
      %dma_wait3A = tpu.memref_slice %arg8[%add3A_77] : memref<20480xf32, #tpu.memory_space<hbm>> -> memref<640xf32, #tpu.memory_space<hbm>>
      %dma_wait3A_81 = tpu.memref_slice %arg14[%mul3A_26] : memref<10240xf32, #tpu.memory_space<vmem_shared>> -> memref<640xf32, #tpu.memory_space<vmem_shared>>
      tpu.wait_dma2 semaphore(%run_scoped3A_78 : memref<!tpu.dma_semaphore, #tpu.memory_space<semaphore_mem>>) src(%dma_wait3A_81 : memref<640xf32, #tpu.memory_space<vmem_shared>>) dst(%dma_wait3A : memref<640xf32, #tpu.memory_space<hbm>>)
      tpu.yield
    }) : () -> ()
    return
  }
}

module attributes {stable_mosaic.version = 14 : i64} {
  func.func @_tc_body(%arg0: i32, %arg1: memref<1024x128xf32, #tpu.memory_space<vmem>>, %arg2: memref<2x1024x128xf32, #tpu.memory_space<vmem>>, %arg3: memref<1024x1xf32, #tpu.memory_space<vmem>>, %arg4: memref<1024x1xf32, #tpu.memory_space<vmem>>, %arg5: memref<256x128xf32, #tpu.memory_space<vmem>>, %arg6: memref<1x128xf32, #tpu.memory_space<vmem>>, %arg7: memref<1024x128xf32, #tpu.memory_space<vmem>>) attributes {dimension_semantics = [#tpu.dimension_semantics<arbitrary>], iteration_bounds = array<i64: 10>, scalar_prefetch = 0 : i64, scratch_operands = 0 : i64, tpu.core_type = #tpu.core_type<tc>, window_params = [{transform_indices = @transform_0, window_bounds = array<i64: 1024, 128>}, {transform_indices = @transform_1, window_bounds = array<i64: 2, 1024, 128>}, {transform_indices = @transform_2, window_bounds = array<i64: 1024, 1>}, {transform_indices = @transform_3, window_bounds = array<i64: 1024, 1>}, {pipeline_mode = #tpu.pipeline_mode<synchronous>, transform_indices = @transform_4, window_bounds = array<i64: 256, 128>}, {pipeline_mode = #tpu.pipeline_mode<synchronous>, transform_indices = @transform_5, window_bounds = array<i64: 1, 128>}, {transform_indices = @transform_6, window_bounds = array<i64: 1024, 128>}]} {
    %get3A = arith.constant 0 : index
    %get3A_0 = arith.constant 0 : index
    %get3A_1 = arith.constant 0 : index
    %get3A_2 = vector.load %arg2[%get3A, %get3A_0, %get3A_1] : memref<2x1024x128xf32, #tpu.memory_space<vmem>>, vector<1x1024x128xf32>
    %get3A_3 = vector.shape_cast %get3A_2 : vector<1x1024x128xf32> to vector<1024x128xf32>
    %get3A_4 = arith.constant 1 : index
    %get3A_5 = arith.constant 0 : index
    %get3A_6 = arith.constant 0 : index
    %get3A_7 = vector.load %arg2[%get3A_4, %get3A_5, %get3A_6] : memref<2x1024x128xf32, #tpu.memory_space<vmem>>, vector<1x1024x128xf32>
    %get3A_8 = vector.shape_cast %get3A_7 : vector<1x1024x128xf32> to vector<1024x128xf32>
    %add3A = arith.addf %get3A_3, %get3A_8 : vector<1024x128xf32>
    %get3A_9 = arith.constant 0 : index
    %get3A_10 = arith.constant 0 : index
    %get3A_11 = vector.load %arg3[%get3A_9, %get3A_10] : memref<1024x1xf32, #tpu.memory_space<vmem>>, vector<1024x1xf32>
    %get3A_12 = arith.constant 0 : index
    %get3A_13 = arith.constant 0 : index
    %get3A_14 = vector.load %arg4[%get3A_12, %get3A_13] : memref<1024x1xf32, #tpu.memory_space<vmem>>, vector<1024x1xf32>
    %add3A_15 = arith.addf %get3A_11, %get3A_14 : vector<1024x1xf32>
    %add3A_16 = arith.constant 9.99999971E-10 : f32
    %add3A_17 = vector.broadcast %add3A_16 : f32 to vector<1024x1xf32>
    %add3A_18 = arith.addf %add3A_15, %add3A_17 : vector<1024x1xf32>
    %div3A = vector.broadcast %add3A_18 : vector<1024x1xf32> to vector<1024x128xf32>
    %div3A_19 = arith.divf %add3A, %div3A : vector<1024x128xf32>
    %get3A_20 = arith.constant 0 : index
    %get3A_21 = arith.constant 0 : index
    %get3A_22 = vector.load %arg1[%get3A_20, %get3A_21] : memref<1024x128xf32, #tpu.memory_space<vmem>>, vector<1024x128xf32>
    %get3A_23 = arith.constant 0 : index
    %get3A_24 = arith.constant 0 : index
    %get3A_25 = vector.load %arg5[%get3A_23, %get3A_24] : memref<256x128xf32, #tpu.memory_space<vmem>>, vector<128x128xf32>
    %dot_general3A = arith.constant dense<0.000000e+00> : vector<1024x128xf32>
    %dot_general3A_26 = tpu.matmul %get3A_22, %get3A_25, %dot_general3A {dimension_numbers = #tpu.dot_dimension_numbers<[1], [0], [0], [1], [0, 0, 1, 1], [], []>, transpose_lhs_hint = false} : vector<1024x128xf32>, vector<128x128xf32>, vector<1024x128xf32> -> vector<1024x128xf32>
    %get3A_27 = arith.constant 128 : index
    %get3A_28 = arith.constant 0 : index
    %get3A_29 = vector.load %arg5[%get3A_27, %get3A_28] : memref<256x128xf32, #tpu.memory_space<vmem>>, vector<128x128xf32>
    %dot_general3A_30 = arith.constant dense<0.000000e+00> : vector<1024x128xf32>
    %dot_general3A_31 = tpu.matmul %div3A_19, %get3A_29, %dot_general3A_30 {dimension_numbers = #tpu.dot_dimension_numbers<[1], [0], [0], [1], [0, 0, 1, 1], [], []>, transpose_lhs_hint = false} : vector<1024x128xf32>, vector<128x128xf32>, vector<1024x128xf32> -> vector<1024x128xf32>
    %add3A_32 = arith.addf %dot_general3A_26, %dot_general3A_31 : vector<1024x128xf32>
    %get3A_33 = arith.constant 0 : index
    %get3A_34 = arith.constant 0 : index
    %get3A_35 = vector.load %arg6[%get3A_33, %get3A_34] : memref<1x128xf32, #tpu.memory_space<vmem>>, vector<1x128xf32>
    %add3A_36 = vector.broadcast %get3A_35 : vector<1x128xf32> to vector<1024x128xf32>
    %add3A_37 = arith.addf %add3A_32, %add3A_36 : vector<1024x128xf32>
    %max3A = arith.constant 0.000000e+00 : f32
    %max3A_38 = vector.broadcast %max3A : f32 to vector<1024x128xf32>
    %max3A_39 = arith.maximumf %add3A_37, %max3A_38 : vector<1024x128xf32>
    %swap3A = arith.constant 0 : index
    %swap3A_40 = arith.constant 0 : index
    %swap3A_41 = vector.load %arg7[%swap3A, %swap3A_40] : memref<1024x128xf32, #tpu.memory_space<vmem>>, vector<1024x128xf32>
    tpu.vector_store %arg7[%swap3A, %swap3A_40], %max3A_39 {strides = array<i32>} : memref<1024x128xf32, #tpu.memory_space<vmem>>, vector<1024x128xf32>,
    return
  }
  func.func @transform_0(%arg0: i32) -> (i32, i32) {
    %c0_i32 = arith.constant 0 : i32
    %c0_i32_0 = arith.constant 0 : i32
    return %arg0, %c0_i32 : i32, i32
  }
  func.func @transform_1(%arg0: i32) -> (i32, i32, i32) {
    %c0_i32 = arith.constant 0 : i32
    %c0_i32_0 = arith.constant 0 : i32
    %c0_i32_1 = arith.constant 0 : i32
    return %c0_i32, %arg0, %c0_i32_0 : i32, i32, i32
  }
  func.func @transform_2(%arg0: i32) -> (i32, i32) {
    %c0_i32 = arith.constant 0 : i32
    %c0_i32_0 = arith.constant 0 : i32
    return %arg0, %c0_i32 : i32, i32
  }
  func.func @transform_3(%arg0: i32) -> (i32, i32) {
    %add3A = arith.constant 10 : i32
    %add3A_0 = arith.addi %add3A, %arg0 : i32
    %c0_i32 = arith.constant 0 : i32
    %c0_i32_1 = arith.constant 0 : i32
    return %add3A_0, %c0_i32 : i32, i32
  }
  func.func @transform_4(%arg0: i32) -> (i32, i32) {
    %c0_i32 = arith.constant 0 : i32
    %c0_i32_0 = arith.constant 0 : i32
    %c0_i32_1 = arith.constant 0 : i32
    return %c0_i32, %c0_i32_0 : i32, i32
  }
  func.func @transform_5(%arg0: i32) -> (i32, i32) {
    %c0_i32 = arith.constant 0 : i32
    %c0_i32_0 = arith.constant 0 : i32
    %c0_i32_1 = arith.constant 0 : i32
    return %c0_i32, %c0_i32_0 : i32, i32
  }
  func.func @transform_6(%arg0: i32) -> (i32, i32) {
    %c0_i32 = arith.constant 0 : i32
    %c0_i32_0 = arith.constant 0 : i32
    return %arg0, %c0_i32 : i32, i32
  }
}

</mosaic_0001>

<sc_bundles>
// kernel: kernel.4.cloned.1.call-start
scs
__scs_entry_jumppad:
0x0: {  	(pc) =	sbr.rel $0x88, $3  }
0x1: {  	(tag) =	ssettag $0x0;
	lr =	simm.s32 $0x1  }
0x2: {  	[smem:$0x3F9D] =	sst lr;
	_ =	strace $0xD0000000  }
0x3: {  	_ = 	snop  }
0x4: {  	_ = 	snop  }
0x5: {  	_ = 	snop  }
0x6: {  	_ = 	snop  }
0x7: {  	_ = 	snop  }
__scs_overlays_trampoline_lowered:
0x8: {  	[smem:$0x3FAC] =	sst s0  }
0x9: {  	[smem:$0x3FAD] =	sst s1  }
0xa: {  	[smem:$0x3FAE] =	sst s2  }
0xb: {  	[smem:$0x3FAF] =	sst s3  }
0xc: {  	[smem:$0x3FB0] =	sst s4  }
0xd: {  	[smem:$0x3FB1] =	sst s5  }
0xe: {  	[smem:$0x3FB2] =	sst s6  }
0xf: {  	[smem:$0x3FB3] =	sst s7  }
0x10: {  	[smem:$0x3FB4] =	sst s8  }
0x11: {  	[smem:$0x3FB5] =	sst s9;
	s0 =	simm.s32 @!p0 $0x0  }
0x12: {  	s1 =	sld [smem:$0x3F9B];
	s0 =	simm.s32 @p0 $0x1  }
0x13: {  	[smem:$0x3FB6] =	sst s0;
	s0 =	simm.s32 @!p1 $0x0  }
0x14: {  	s2 =	sld [smem:$0x3F9A];
	s0 =	simm.s32 @p1 $0x1  }
0x15: {  	[smem:$0x3FB7] =	sst s0;
	s0 =	simm.s32 @!p2 $0x0  }
0x16: {  	s3 =	sld [smem:$0x3FDB];
	s0 =	simm.s32 @p2 $0x1  }
0x17: {  	s4 =	simm.s32 $0x1BF5;
	[smem:$0x3FB9] =	sst s0  }
0x18: {  	s0 =	sld [smem:$0x3F9C];
	_ =	swait.ge [sflag:s4], $0x0  }
0x19: {  	s7 =	sld [smem:$0x3F9D]  }
0x1a: {  	s8 =	sadd.s32 $0xFFFFE003, lr  }
0x1b: {  	s9 =	sadd.s32 $0xFFFFFEF7, lr;
	s5 =	simm.s32 $0xFFFFFFFF;
	p2 =	slt.u32 s8, $0xFFFFF086  }
0x1c: {  	p1 =	slt.u32 s9, $0xF7A;
	s5 =	simm.s32 @!p2 $0x0  }
0x1d: {  	s5 =	simm.s32 @p1 $0x1;
	p0 =	seq.s32 s7, s2  }
0x1e: {  	s7 =	smul.u32 @!p0 $0xF7A, s2;
	p2 =	seq.s32 @!p0 s5, $0x0  }
0x1f: {  	s9 =	smul.u32 $0xF7A, s1;
	s8 =	simm.s32 @!p0 $0x1BF5;
	p2 =	por !p2, p0  }
0x20: {  	[sflag:s8] =	ssyncset.s32 @!p0 $0xFFFFF086;
	s6 =	sadd.s32 @!p0 s3, s7;
	s7 =	simm.s32 @!p0 $0x108  }
0x21: {  	s3 =	sadd.s32 s3, s9;
	s6 =	sadd.s32 @!p0 $0x88, s6;
	s7 =	simm.s32 @p2 $0x1082  }
0x22: {  	[simem:s7], [sflag:s8] =	dma.local @!p0 [hbm:s6], $0xF7A  }
0x23: {  	s9 =	sor.u32 $0xD0000000, s2;
	s6 =	simm.s32 $0x108;
	_ =	swait.ge @!p0 [sflag:s8], $0x0  }
0x24: {  	s3 =	sadd.s32 $0x88, s3;
	s6 =	simm.s32 @!p1 $0x1082;
	[sflag:s4] =	ssyncset.s32 $0xFFFFF086  }
0x25: {  	[simem:s6], [sflag:s4] =	dma.local [hbm:s3], $0xF7A  }
0x26: {  	[smem:$0x3F9D] =	sst s1;
	(tag) =	ssettag s2;
	_ =	strace s9  }
0x27: {  	s1 =	sld [smem:$0x3FAD]  }
0x28: {  	s2 =	sld [smem:$0x3FAE]  }
0x29: {  	s4 =	sld [smem:$0x3FB0]  }
0x2a: {  	p0 =	seq.s32 s5, $0x0;
	s5 =	sld [smem:$0x3FB1]  }
0x2b: {  	s6 =	sld [smem:$0x3FB2]  }
0x2c: {  	s7 =	sld [smem:$0x3FB3]  }
0x2d: {  	s3 =	simm.s32 $0x108;
	s8 =	sld [smem:$0x3FB4]  }
0x2e: {  	s3 =	simm.s32 @!p0 $0x1082;
	s9 =	sld [smem:$0x3FB5]  }
0x2f: {  	lr =	sadd.s32 s0, s3;
	s0 =	sld [smem:$0x3FAC]  }
0x30: {  	s3 =	sld [smem:$0x3FAF]  }
0x31: {  	[smem:$0x3FB8] =	sst s10  }
0x32: {  	s10 =	sld [smem:$0x3FB6];
	_ =	sdelay $0x3  }
0x33: {  	p0 =	seq.s32 s10, $0x1;
	s10 =	sld [smem:$0x3FB8];
	_ =	sdelay $0x3  }
0x34: {  	[smem:$0x3FB8] =	sst s10  }
0x35: {  	s10 =	sld [smem:$0x3FB7];
	_ =	sdelay $0x3  }
0x36: {  	p1 =	seq.s32 s10, $0x1;
	s10 =	sld [smem:$0x3FB8];
	_ =	sdelay $0x3  }
0x37: {  	[smem:$0x3FB8] =	sst s10  }
0x38: {  	s10 =	sld [smem:$0x3FB9]  }
0x39: {  	_ = 	snop;
	(pc) =	sbr.ind lr, $3  }
0x3a: {  	_ = 	snop  }
0x3b: {  	_ = 	snop  }
0x3c: {  	p2 =	seq.s32 s10, $0x1;
	s10 =	sld [smem:$0x3FB8]  }
0x3d: {  	_ =	shalt  }
0x3e: {  	_ =	shalt  }
0x3f: {  	_ =	shalt  }
0x40: {  	_ =	shalt  }
0x41: {  	_ =	shalt  }
0x42: {  	_ =	shalt  }
0x43: {  	_ =	shalt  }
0x44: {  	_ =	shalt  }
0x45: {  	_ =	shalt  }
0x46: {  	_ =	shalt  }
0x47: {  	_ =	shalt  }
0x48: {  	_ =	shalt  }
0x49: {  	_ =	shalt  }
0x4a: {  	_ =	shalt  }
0x4b: {  	_ =	shalt  }
0x4c: {  	_ =	shalt  }
0x4d: {  	_ =	shalt  }
0x4e: {  	_ =	shalt  }
0x4f: {  	_ =	shalt  }
0x50: {  	_ =	shalt  }
0x51: {  	_ =	shalt  }
0x52: {  	_ =	shalt  }
0x53: {  	_ =	shalt  }
0x54: {  	_ =	shalt  }
0x55: {  	_ =	shalt  }
0x56: {  	_ =	shalt  }
0x57: {  	_ =	shalt  }
0x58: {  	_ =	shalt  }
0x59: {  	_ =	shalt  }
0x5a: {  	_ =	shalt  }
0x5b: {  	_ =	shalt  }
0x5c: {  	_ =	shalt  }
0x5d: {  	_ =	shalt  }
0x5e: {  	_ =	shalt  }
0x5f: {  	_ =	shalt  }
0x60: {  	_ =	shalt  }
0x61: {  	_ =	shalt  }
0x62: {  	_ =	shalt  }
0x63: {  	_ =	shalt  }
0x64: {  	_ =	shalt  }
0x65: {  	_ =	shalt  }
0x66: {  	_ =	shalt  }
0x67: {  	_ =	shalt  }
0x68: {  	_ =	shalt  }
0x69: {  	_ =	shalt  }
0x6a: {  	_ =	shalt  }
0x6b: {  	_ =	shalt  }
0x6c: {  	_ =	shalt  }
0x6d: {  	_ =	shalt  }
0x6e: {  	_ =	shalt  }
0x6f: {  	_ =	shalt  }
0x70: {  	_ =	shalt  }
0x71: {  	_ =	shalt  }
0x72: {  	_ =	shalt  }
0x73: {  	_ =	shalt  }
0x74: {  	_ =	shalt  }
0x75: {  	_ =	shalt  }
0x76: {  	_ =	shalt  }
0x77: {  	_ =	shalt  }
0x78: {  	_ =	shalt  }
0x79: {  	_ =	shalt  }
0x7a: {  	_ =	shalt  }
0x7b: {  	_ =	shalt  }
0x7c: {  	_ =	shalt  }
0x7d: {  	_ =	shalt  }
0x7e: {  	_ =	shalt  }
0x7f: {  	_ =	shalt  }
0x80: {  	_ =	shalt  }
0x81: {  	_ =	shalt  }
0x82: {  	_ =	shalt  }
0x83: {  	_ =	shalt  }
0x84: {  	_ =	shalt  }
0x85: {  	_ =	shalt  }
0x86: {  	_ =	shalt  }
0x87: {  	_ =	shalt  }
.Lfunc_end0:
.L_simem_size_0:
called_computation_lowered:
.L_overlay_start_0:
0x88: {  	s2 =	sld [smem:$0x3FD9]  }
0x89: {  	s3 =	sld [smem:$0x3FFE];
	_ =	sdelay $0x1  }
0x8a: {  	s1 =	srdreg.scid  }
0x8b: {  	s0 =	sand.u32 $0x1, s1  }
0x8c: {  	s17 =	sshll.u32 s0, $0xA;
	s2 =	sadd.s32 s3, s2  }
0x8d: {  	s2 =	sadd.s32 s2, s17  }
0x8e: {  	[smem:$0x3FC4] =	sst s2  }
0x8f: {  	_ = 	snop  }
0x90: {  	s2 =	sld [smem:$0x3FC9]  }
0x91: {  	s18 =	sld [smem:$0x3FD0];
	(tm) =	ssettm $0x1  }
0x92: {  	s4 =	sld [smem:$0x3FFB];
	_ =	sdelay $0x3  }
0x93: {  	_ =	strace s4  }
0x94: {  	s4 =	sld [smem:$0x3FFC];
	_ =	sdelay $0x3  }
0x95: {  	_ =	strace s4  }
0x96: {  	s4 =	sld [smem:$0x3FFD];
	_ =	sdelay $0x3  }
0x97: {  	_ =	strace s4  }
0x98: {  	_ =	strace $0x8FFFFFFF  }
0x99: {  	s19 =	sld [smem:$0x3FDB];
	_ =	sdelay $0x1  }
0x9a: {  	s5 =	simm.s32 $_scs_section_size  }
0x9b: {  	s6 =	simm.s32 $_size__tile_overlayer_lowered;
	s7 =	simm.s32 $_tile_overlayer_lowered  }
0x9c: {  	s22 =	simm.s32 $0x1BFF;
	s21 =	sshll.u32 s7, $0x1;
	s4 =	sadd.s32 s5, s19  }
0x9d: {  	s8 =	simm.s32 $0x0;
	s20 =	sshll.u32 s6, $0x1;
	s6 =	sadd.s32 s21, s4  }
0x9e: {  	[timem:s8], [sflag:s22] =	dma.local [hbm:s6], s20  }
0x9f: {  	_ =	swait.ge [sflag:s22], s20  }
0xa0: {  	s5 =	ssub.s32 $0x0, s20;
	[sflag:s22] =	ssyncset.done $0x0  }
0xa1: {  	[sflag:s22] =	ssyncadd.s32 s5;
	_ =	sdelay $0x1  }
0xa2: {  	s23 =	simm.s32 $0x1B8B  }
0xa3: {  	_ =	swait.ge [sflag:s23], $0x1  }
0xa4: {  	[sflag:s23] =	ssyncset.done $0x0  }
0xa5: {  	s25 =	simm.s32 $0x1B8E;
	s24 =	sld [smem:$0x3FFE];
	[sflag:s23] =	ssyncadd.s32 $0xFFFFFFFF  }
0xa6: {  	s26 =	simm.s32 $execute0_lowered;
	[smem:$0x3FD2] =	sst s25  }
0xa7: {  	s6 =	sshll.u32 s26, $0x1;
	_ =	strace $0x80000046;
	[dreg:$0x1] =	wrdreg $0xFFFFFFFF  }
0xa8: {  	s28 =	simm.s32 $_size_execute0_lowered;
	s4 =	sadd.s32 s4, s6;
	[dreg:$0x0] =	wrdreg $0x0  }
0xa9: {  	s6 =	sshll.u32 s28, $0x1;
	[dreg:$0x2] =	wrdreg s4  }
0xaa: {  	[dreg:$0x3] =	wrdreg s6  }
0xab: {  	[dreg:$0x4] =	wrdreg $0xC0  }
0xac: {  	_ =	task [dreg:s8], $0x5FFFF  }
0xad: {  	[dreg:$0x1] =	wrdreg $0xFFFFFFFF  }
0xae: {  	[dreg:$0x0] =	wrdreg $0x60  }
0xaf: {  	[dreg:$0x2] =	wrdreg s2  }
0xb0: {  	[dreg:$0x3] =	wrdreg s18  }
0xb1: {  	[dreg:$0x4] =	wrdreg s24  }
0xb2: {  	[dreg:$0x5] =	wrdreg $0x82800  }
0xb3: {  	[dreg:$0x6] =	wrdreg $0x1C2800  }
0xb4: {  	[dreg:$0x7] =	wrdreg $0x9  }
0xb5: {  	_ =	task.clear_ibuf [dreg:s8], $0x8FFFF;
	_ =	strace $0x90000046  }
0xb6: {  	s29 =	simm.s32 $0x9;
	_ =	strace $0x80000048  }
0xb7: {  	_ =	swait.ge [sflag:s29], $0x1  }
0xb8: {  	[sflag:s29] =	ssyncadd.s32 $0xFFFFFFFF  }
0xb9: {  	_ =	strace $0x90000048  }
0xba: {  	_ =	sfence  }
0xbb: {  	s30 =	sld [smem:$0x0];
	_ =	sdelay $0x2  }
0xbc: {  	s31 =	sshll.u32 s1, $0xD;
	s1 =	sshrl.u32 s1, $0x2  }
0xbd: {  	s3 =	sand.u32 $0x4000, s31;
	s1 =	sadd.s32 s1, s30  }
0xbe: {  	s0 =	sor.u32 s3, s0;
	s1 =	sshll.u32 s1, $0x11  }
0xbf: {  	s0 =	sor.u32 s1, s0  }
0xc0: {  	s0 =	sadd.s32 $0x8F2B, s0  }
0xc1: {  	[sflag:s0] =	ssyncadd.remote.s32 $0x1  }
0xc2: {  	_ =	sfence.sel $0xFFFF  }
0xc3: {  	[dreg:$0x0] =	wrdreg $0xFFFFFFFF;
	(pc) =	sbr.abs _section_cstart, $3  }
0xc4: {  	[dreg:$0x1] =	wrdreg $0xFFFFFFFF  }
0xc5: {  	_ =	task.clear_ibuf [dreg:s8], $0x2FFFF;
	_ =	strace $0x9FFFFFFF  }
0xc6: {  	(tm) =	ssettm $0x7FFFFFFF  }
0xc7: {  	_ =	shalt  }
tec
execute0_lowered:
.L_overlay_start_1:
0x0: {  	(tag) =	ssettag $0x1  }
0x1: {  	s1 =	rddreg [dreg:$0x0]  }
0x2: {  	s0 =	rddreg [dreg:$0x1]  }
0x3: {  	s2 =	rddreg [dreg:$0x2]  }
0x4: {  	s3 =	rddreg [dreg:$0x3]  }
0x5: {  	s4 =	rddreg [dreg:$0x4];
	s18 =	stileid.u32;
	s5 =	simm.s32 $0x0  }
0x6: {  	s7 =	srdreg.scid;
	s20 =	simm.s32 $0x3;
	s6 =	smul.u32 $0x14000, s18  }
0x7: {  	s24 =	simm.s32 $0x80;
	s29 =	simm.s32 $0x0;
	s10 =	smul.u32 $0x280, s18  }
0x8: {  	[smem:$0x7FF] =	sst s5;
	s7 =	sand.u32 $0x1, s7;
	s14 =	smul.u32 $0x4E, s18  }
0x9: {  	s25 =	sadd.s32 $0x1600, s2;
	s16 =	smul.u32 $0x50000, s18;
	s28 =	smin.u32 s18, $0x2  }
0xa: {  	s31 =	sshll.u32 s18, $0x6;
	_ =	strace $0x80000047;
	s8 =	smul.u32 $0x140000, s7  }
0xb: {  	s12 =	smul.u32 $0x2800, s7;
	[dreg:$0x6] =	wrdreg s25;
	s13 =	ssub.s32 $0x2, s7  }
0xc: {  	p0 =	seq.s32 s7, $0x0;
	s7 =	simm.s32 $0x4F;
	s9 =	sshrl.u32 s6, $0x3  }
0xd: {  	s11 =	sshrl.u32 s10, $0x3;
	s26 =	sshrl.u32 s13, $0x1;
	s30 =	sshrl.u32 s16, $0x2  }
0xe: {  	s21 =	sadd.s32 s10, s4;
	s9 =	sadd.s32 s9, s2;
	s11 =	sadd.s32 s11, s2  }
0xf: {  	s8 =	sadd.s32 s6, s8;
	s12 =	sadd.s32 s10, s12;
	s17 =	ssub.s32 s13, s26  }
0x10: {  	s19 =	sadd.s32 s30, s3;
	s8 =	sshrl.u32 s8, $0x3;
	s12 =	sshrl.u32 s12, $0x3  }
0x11: {  	s15 =	sadd.s32 s8, s2;
	s2 =	sadd.s32 s12, s2;
	s12 =	sadd.s32 $0x4E2, s14  }
0x12: {  	s21 =	sshrl.u32 s21, $0x3;
	s11 =	sadd.s32 $0x1800, s11;
	s12 =	smov.u32 @p0 s14  }
0x13: {  	s17 =	smax.u32 s17, $0x1;
	s19 =	sshrl.u32 s19, $0x3;
	s12 =	sadd.s32 s28, s12  }
0x14: {  	s8 =	sadd.s32 $0x1E00, s9;
	s9 =	sor.u32 $0x1C03, s31;
	s12 =	sshll.u32 s12, $0x4  }
0x15: {  	p0 =	slt.u32 s18, $0x2;
	s15 =	sadd.s32 $0x2A800, s15;
	s10 =	sadd.s32 s0, s12  }
0x16: {  	s16 =	sadd.s32 $0x29E00, s2;
	s7 =	simm.s32 @!p0 $0x4E;
	s12 =	sadd.s32 $0x9C40, s10  }
0x17: {  	s13 =	sadd.s32 $0x9C50, s10;
	s14 =	sadd.s32 $0x10, s10;
	s18 =	sadd.s32 $0x9C60, s10  }
.LBB2_1:
0x18: {  	[spmem:s19], [sflag:s9] =	dma.local [hbm:s8], $0x2800  }
0x19: {  	_ =	swait.ge [sflag:s20], $0x2800  }
0x1a: {  	[sflag:s20] =	ssyncset.done $0x0  }
0x1b: {  	[sflag:s20] =	ssyncadd.s32 $0xFFFFD800  }
0x1c: {  	[spmem:s21], [sflag:s9] =	dma.local [hbm:s11], $0x50  }
0x1d: {  	_ =	swait.ge [sflag:s20], $0x50  }
0x1e: {  	[sflag:s20] =	ssyncset.done $0x0  }
0x1f: {  	s2 =	simm.s32 $0x8200;
	s0 =	rddreg [dreg:$0x6];
	[sflag:s20] =	ssyncadd.s32 $0xFFFFFFB0  }
0x20: {  	[tilespmem:s2], [sflag:$0x3] =	stream.linear.gather [hbm4b:s0+s5], $0x80, $0x38;
	[tilespmem:$0x1C500] =	vst v63  }
0x21: {  	_ =	swait.ge [sflag:s20], $0x80  }
0x22: {  	[sflag:s20] =	ssyncset.done $0x0  }
0x23: {  	[sflag:s20] =	ssyncadd.s32 $0xFFFFFF80  }
0x24: {  	[bflag:$0x0] =	sbarrier.arrive $0xFFFF  }
0x25: {  	[tilespmem:s5], [sflag:$0x3] =	stream.linear.gather [hbm4b:s12+s5], $0x80, $0x38;
	[tilespmem:$0x1C500] =	vst v63  }
0x26: {  	_ =	swait.ge [sflag:s20], $0x80  }
0x27: {  	[sflag:s20] =	ssyncset.done $0x0  }
0x28: {  	s23 =	simm.s32 $0x100;
	[sflag:s20] =	ssyncadd.s32 $0xFFFFFF80  }
0x29: {  	[tilespmem:s23], [sflag:$0x3] =	stream.linear.gather [hbm4b:s10+s5], $0x80, $0x38;
	[tilespmem:$0x1C500] =	vst v63  }
0x2a: {  	_ =	swait.ge [sflag:s20], $0x80  }
0x2b: {  	[sflag:s20] =	ssyncset.done $0x0  }
0x2c: {  	s25 =	simm.s32 $0x200;
	[sflag:s20] =	ssyncadd.s32 $0xFFFFFF80  }
0x2d: {  	[tilespmem:s25], [sflag:$0x1] =	stream.indirect.gather [hbm4b:s1+s24], $0x80, s5, s24, $0xb8;
	[tilespmem:$0x1C500] =	vst v63  }
0x2e: {  	_ = 	snop  }
0x2f: {  	[tilespmem:s24], [sflag:$0x3] =	stream.linear.gather [hbm4b:s13+s5], $0x80, $0x38;
	[tilespmem:$0x1C500] =	vst v63  }
0x30: {  	_ =	swait.ge [sflag:s20], $0x80  }
0x31: {  	[sflag:s20] =	ssyncset.done $0x0  }
0x32: {  	s26 =	simm.s32 $0x180;
	p2 =	sne.s32 s7, $0x1;
	[sflag:s20] =	ssyncadd.s32 $0xFFFFFF80  }
0x33: {  	[tilespmem:s26], [sflag:$0x3] =	stream.linear.gather [hbm4b:s14+s5], $0x80, $0x38;
	[tilespmem:$0x1C500] =	vst v63  }
.Ltmp0:
0x34: {  	_ = 	snop;
	(pc) =	sbr.rel @!p2 .LBB2_2-.Ltmp0, $4  }
0x35: {  	s28 =	simm.s32 $0x4200;
	_ =	swait.ge [sflag:s20], $0x80  }
0x36: {  	s31 =	sand.u32 $0x1, s5;
	s30 =	simm.s32 $0x1;
	[sflag:s20] =	ssyncset.done $0x0  }
0x37: {  	p1 =	por $0x0, $0x0;
	p0 =	seq.s32 s31, $0x1;
	[sflag:s20] =	ssyncadd.s32 $0xFFFFFF80  }
0x38: {  	[tilespmem:s28], [sflag:$0x2] =	stream.indirect.gather [hbm4b:s1+s24], $0x80, s24, s24, $0xb8;
	[tilespmem:$0x1C500] =	vst v63  }
0x39: {  	s0 =	simm.s32 @p0 $0x2  }
0x3a: {  	_ =	swait.ge @p0 [sflag:s0], $0x4000  }
0x3b: {  	s2 =	simm.s32 @p0 $0x4200;
	s22 =	simm.s32 @p0 $0x3;
	[sflag:s0] =	ssyncset.done @p0 $0x0  }
0x3c: {  	s23 =	simm.s32 @p0 $0x80;
	s25 =	simm.s32 @p0 $0x180;
	[sflag:s0] =	ssyncadd.s32 @p0 $0xFFFFC000  }
0x3d: {  	[spmem:s3] =	stream.indirect.scatter.add.f32 @p0 [tilespmem:s2], [sflag:$0x3], $0x80, s25, s23, $0xb8;
	[tilespmem:$0x1C500] =	vst v63  }
0x3e: {  	_ =	swait.ge @p0 [sflag:s22], $0x4000  }
0x3f: {  	[sflag:s22] =	ssyncset.done @p0 $0x0  }
0x40: {  	p1 =	sle.u32 @p0 s7, $0x2;
	s0 =	simm.s32 @p0 $0x8200;
	[sflag:s22] =	ssyncadd.s32 @p0 $0xFFFFC000  }
0x41: {  	[spmem:s4] =	stream.indirect.scatter.add.f32 @p0 [tilespmem:s0], [sflag:$0x3], $0x1, s25, s23, $0xb8;
	[tilespmem:$0x1C500] =	vst v63  }
0x42: {  	p1 =	por p1, !p0;
	_ =	swait.ge @p0 [sflag:s22], $0x80  }
0x43: {  	s2 =	simm.s32 @!p1 $0x80;
	[sflag:s22] =	ssyncset.done @p0 $0x0  }
0x44: {  	s0 =	simm.s32 @!p1 $0x0;
	[sflag:s22] =	ssyncadd.s32 @p0 $0xFFFFFF80;
	s22 =	simm.s32 @!p1 $0x3  }
0x45: {  	[tilespmem:s2], [sflag:$0x3] =	stream.linear.gather @!p1 [hbm4b:s18+s0], $0x80, $0x38;
	[tilespmem:$0x1C500] =	vst v63  }
0x46: {  	_ =	swait.ge @!p1 [sflag:s22], $0x80  }
0x47: {  	[sflag:s22] =	ssyncset.done @!p1 $0x0  }
0x48: {  	s23 =	sadd.s32 @!p1 $0xFFFF63C0, s18;
	s25 =	simm.s32 @!p1 $0x180;
	[sflag:s22] =	ssyncadd.s32 @!p1 $0xFFFFFF80  }
0x49: {  	[tilespmem:s25], [sflag:$0x3] =	stream.linear.gather @!p1 [hbm4b:s23+s0], $0x80, $0x38;
	[tilespmem:$0x1C500] =	vst v63  }
0x4a: {  	_ =	swait.ge @!p1 [sflag:s22], $0x80  }
0x4b: {  	[sflag:s22] =	ssyncset.done @!p1 $0x0  }
0x4c: {  	s0 =	simm.s32 @!p1 $0x4200;
	[sflag:s22] =	ssyncadd.s32 @!p1 $0xFFFFFF80;
	s22 =	simm.s32 @!p0 $0x1  }
0x4d: {  	[tilespmem:s0], [sflag:$0x2] =	stream.indirect.gather @!p1 [hbm4b:s1+s2], $0x80, s2, s2, $0xb8;
	[tilespmem:$0x1C500] =	vst v63  }
0x4e: {  	_ =	swait.ge @!p0 [sflag:s22], $0x4000  }
0x4f: {  	s23 =	simm.s32 @!p0 $0x100;
	s0 =	simm.s32 @!p0 $0x200;
	[sflag:s22] =	ssyncset.done @!p0 $0x0  }
0x50: {  	s2 =	simm.s32 @!p0 $0x80;
	[sflag:s22] =	ssyncadd.s32 @!p0 $0xFFFFC000;
	s22 =	simm.s32 @!p0 $0x3  }
0x51: {  	[spmem:s3] =	stream.indirect.scatter.add.f32 @!p0 [tilespmem:s0], [sflag:$0x3], $0x80, s23, s2, $0xb8;
	[tilespmem:$0x1C500] =	vst v63  }
0x52: {  	_ =	swait.ge @!p0 [sflag:s22], $0x4000  }
0x53: {  	[sflag:s22] =	ssyncset.done @!p0 $0x0  }
0x54: {  	p2 =	sne.s32 s7, $0x2;
	s0 =	simm.s32 @!p0 $0x8200;
	[sflag:s22] =	ssyncadd.s32 @!p0 $0xFFFFC000  }
0x55: {  	[spmem:s4] =	stream.indirect.scatter.add.f32 @!p0 [tilespmem:s0], [sflag:$0x3], $0x1, s23, s2, $0xb8;
	[tilespmem:$0x1C500] =	vst v63  }
0x56: {  	s31 =	sand.u32 $0x1, s30;
	p1 =	sle.u32 @!p0 s7, $0x2;
	_ =	swait.ge @!p0 [sflag:s22], $0x80  }
0x57: {  	p3 =	por p1, p0;
	p1 =	por $0x1, $0x1;
	[sflag:s22] =	ssyncset.done @!p0 $0x0  }
0x58: {  	s2 =	simm.s32 @!p3 $0x0;
	[sflag:s22] =	ssyncadd.s32 @!p0 $0xFFFFFF80;
	s22 =	simm.s32 @!p3 $0x3  }
0x59: {  	[tilespmem:s2], [sflag:$0x3] =	stream.linear.gather @!p3 [hbm4b:s18+s2], $0x80, $0x38;
	[tilespmem:$0x1C500] =	vst v63  }
.Ltmp1:
0x5a: {  	s25 =	simm.s32 @!p3 $0x100;
	_ =	swait.ge @!p3 [sflag:s22], $0x80;
	(pc) =	sbr.rel @!p2 .LBB2_5-.Ltmp1, $4  }
0x5b: {  	s0 =	simm.s32 $0x2;
	s23 =	sadd.s32 @!p3 $0xFFFF63C0, s18;
	[sflag:s22] =	ssyncset.done @!p3 $0x0  }
0x5c: {  	p0 =	seq.s32 s31, $0x1;
	s31 =	sadd.s32 $0x10, s18;
	[sflag:s22] =	ssyncadd.s32 @!p3 $0xFFFFFF80  }
0x5d: {  	[tilespmem:s25], [sflag:$0x3] =	stream.linear.gather @!p3 [hbm4b:s23+s2], $0x80, $0x38;
	[tilespmem:$0x1C500] =	vst v63  }
0x5e: {  	s23 =	simm.s32 @!p3 $0x80;
	s25 =	simm.s32 @!p3 $0x200;
	_ =	swait.ge @!p3 [sflag:s22], $0x80  }
.LBB2_4:
0x5f: {  	s26 =	simm.s32 @p0 $0x2  }
0x60: {  	[sflag:s22] =	ssyncset.done @!p3 $0x0;
	s28 =	smov.u32 s0;
	s0 =	sadd.s32 $0x1, s0  }
0x61: {  	p2 =	sne.s32 s7, s0;
	[sflag:s22] =	ssyncadd.s32 @!p3 $0xFFFFFF80  }
0x62: {  	[tilespmem:s25], [sflag:$0x1] =	stream.indirect.gather @!p3 [hbm4b:s1+s23], $0x80, s2, s23, $0xb8;
	[tilespmem:$0x1C500] =	vst v63  }
0x63: {  	s22 =	simm.s32 @p0 $0x3;
	s2 =	simm.s32 @p0 $0x4200;
	_ =	swait.ge @p0 [sflag:s26], $0x4000  }
0x64: {  	s23 =	simm.s32 @p0 $0x80;
	s25 =	simm.s32 @p0 $0x180;
	[sflag:s26] =	ssyncset.done @p0 $0x0  }
0x65: {  	[sflag:s26] =	ssyncadd.s32 @p0 $0xFFFFC000  }
0x66: {  	[spmem:s3] =	stream.indirect.scatter.add.f32 @p0 [tilespmem:s2], [sflag:$0x3], $0x80, s25, s23, $0xb8;
	[tilespmem:$0x1C500] =	vst v63  }
0x67: {  	_ =	swait.ge @p0 [sflag:s22], $0x4000  }
0x68: {  	s26 =	simm.s32 @p0 $0x8200;
	s2 =	sadd.s32 $0x2, s30;
	[sflag:s22] =	ssyncset.done @p0 $0x0  }
0x69: {  	s30 =	smov.u32 s28;
	p3 =	sge.u32 @p0 s2, s7;
	[sflag:s22] =	ssyncadd.s32 @p0 $0xFFFFC000  }
0x6a: {  	[spmem:s4] =	stream.indirect.scatter.add.f32 @p0 [tilespmem:s26], [sflag:$0x3], $0x1, s25, s23, $0xb8;
	[tilespmem:$0x1C500] =	vst v63  }
0x6b: {  	p3 =	por p3, !p0;
	_ =	swait.ge @p0 [sflag:s22], $0x80  }
0x6c: {  	s23 =	simm.s32 @!p3 $0x0;
	s25 =	simm.s32 @!p3 $0x80;
	[sflag:s22] =	ssyncset.done @p0 $0x0  }
0x6d: {  	[sflag:s22] =	ssyncadd.s32 @p0 $0xFFFFFF80;
	s22 =	simm.s32 @!p3 $0x3  }
0x6e: {  	[tilespmem:s25], [sflag:$0x3] =	stream.linear.gather @!p3 [hbm4b:s31+s23], $0x80, $0x38;
	[tilespmem:$0x1C500] =	vst v63  }
0x6f: {  	_ =	swait.ge @!p3 [sflag:s22], $0x80  }
0x70: {  	s28 =	simm.s32 @!p3 $0x180;
	s26 =	sadd.s32 @!p3 $0xFFFF63C0, s31;
	[sflag:s22] =	ssyncset.done @!p3 $0x0  }
0x71: {  	[sflag:s22] =	ssyncadd.s32 @!p3 $0xFFFFFF80  }
0x72: {  	[tilespmem:s28], [sflag:$0x3] =	stream.linear.gather @!p3 [hbm4b:s26+s23], $0x80, $0x38;
	[tilespmem:$0x1C500] =	vst v63  }
0x73: {  	_ =	swait.ge @!p3 [sflag:s22], $0x80  }
0x74: {  	s23 =	simm.s32 @!p3 $0x4200;
	[sflag:s22] =	ssyncset.done @!p3 $0x0  }
0x75: {  	[sflag:s22] =	ssyncadd.s32 @!p3 $0xFFFFFF80;
	s22 =	simm.s32 @!p0 $0x1  }
0x76: {  	[tilespmem:s23], [sflag:$0x2] =	stream.indirect.gather @!p3 [hbm4b:s1+s25], $0x80, s25, s25, $0xb8;
	[tilespmem:$0x1C500] =	vst v63  }
0x77: {  	s23 =	simm.s32 @!p0 $0x200;
	_ =	swait.ge @!p0 [sflag:s22], $0x4000  }
0x78: {  	s26 =	simm.s32 @!p0 $0x100;
	s25 =	simm.s32 @!p0 $0x80;
	[sflag:s22] =	ssyncset.done @!p0 $0x0  }
0x79: {  	[sflag:s22] =	ssyncadd.s32 @!p0 $0xFFFFC000;
	s22 =	simm.s32 @!p0 $0x3  }
0x7a: {  	[spmem:s3] =	stream.indirect.scatter.add.f32 @!p0 [tilespmem:s23], [sflag:$0x3], $0x80, s26, s25, $0xb8;
	[tilespmem:$0x1C500] =	vst v63  }
0x7b: {  	_ =	swait.ge @!p0 [sflag:s22], $0x4000  }
0x7c: {  	s23 =	simm.s32 @!p0 $0x8200;
	[sflag:s22] =	ssyncset.done @!p0 $0x0  }
0x7d: {  	p3 =	sge.u32 @!p0 s2, s7;
	[sflag:s22] =	ssyncadd.s32 @!p0 $0xFFFFC000  }
0x7e: {  	[spmem:s4] =	stream.indirect.scatter.add.f32 @!p0 [tilespmem:s23], [sflag:$0x3], $0x1, s26, s25, $0xb8;
	[tilespmem:$0x1C500] =	vst v63  }
0x7f: {  	p3 =	por p3, p0;
	_ =	swait.ge @!p0 [sflag:s22], $0x80  }
0x80: {  	s2 =	simm.s32 @!p3 $0x0;
	s23 =	simm.s32 @!p3 $0x80;
	[sflag:s22] =	ssyncset.done @!p0 $0x0  }
0x81: {  	s25 =	simm.s32 @!p3 $0x200;
	[sflag:s22] =	ssyncadd.s32 @!p0 $0xFFFFFF80;
	s22 =	simm.s32 @!p3 $0x3  }
0x82: {  	[tilespmem:s2], [sflag:$0x3] =	stream.linear.gather @!p3 [hbm4b:s31+s2], $0x80, $0x38;
	[tilespmem:$0x1C500] =	vst v63  }
.Ltmp2:
0x83: {  	_ =	swait.ge @!p3 [sflag:s22], $0x80;
	(pc) =	sbr.rel @p2 .LBB2_4-.Ltmp2, $4  }
0x84: {  	s28 =	simm.s32 @!p3 $0x100;
	s26 =	sadd.s32 @!p3 $0xFFFF63C0, s31;
	[sflag:s22] =	ssyncset.done @!p3 $0x0  }
0x85: {  	s6 =	sand.u32 $0x1, s30;
	[sflag:s22] =	ssyncadd.s32 @!p3 $0xFFFFFF80  }
0x86: {  	[tilespmem:s28], [sflag:$0x3] =	stream.linear.gather @!p3 [hbm4b:s26+s2], $0x80, $0x38;
	[tilespmem:$0x1C500] =	vst v63  }
0x87: {  	p0 =	seq.s32 s6, $0x1;
	s31 =	sadd.s32 $0x10, s31;
	_ =	swait.ge @!p3 [sflag:s22], $0x80  }
.LBB2_5:
0x88: {  	p1 =	por p3, !p1  }
0x89: {  	[sflag:s22] =	ssyncset.done @!p1 $0x0  }
0x8a: {  	s0 =	simm.s32 @p0 $0x2;
	[sflag:s22] =	ssyncadd.s32 @!p1 $0xFFFFFF80  }
0x8b: {  	[tilespmem:s25], [sflag:$0x1] =	stream.indirect.gather @!p1 [hbm4b:s1+s23], $0x80, s2, s23, $0xb8;
	[tilespmem:$0x1C500] =	vst v63  }
0x8c: {  	_ =	swait.ge @p0 [sflag:s0], $0x4000  }
0x8d: {  	s6 =	simm.s32 @p0 $0x3;
	s22 =	simm.s32 @p0 $0x80;
	[sflag:s0] =	ssyncset.done @p0 $0x0  }
0x8e: {  	s2 =	simm.s32 @p0 $0x4200;
	s23 =	simm.s32 @p0 $0x180;
	[sflag:s0] =	ssyncadd.s32 @p0 $0xFFFFC000  }
0x8f: {  	[spmem:s3] =	stream.indirect.scatter.add.f32 @p0 [tilespmem:s2], [sflag:$0x3], $0x80, s23, s22, $0xb8;
	[tilespmem:$0x1C500] =	vst v63  }
0x90: {  	_ =	swait.ge @p0 [sflag:s6], $0x4000  }
0x91: {  	s0 =	sadd.s32 $0x2, s30;
	[sflag:s6] =	ssyncset.done @p0 $0x0  }
0x92: {  	s2 =	simm.s32 @p0 $0x8200;
	p1 =	sge.u32 @p0 s0, s7;
	[sflag:s6] =	ssyncadd.s32 @p0 $0xFFFFC000  }
0x93: {  	[spmem:s4] =	stream.indirect.scatter.add.f32 @p0 [tilespmem:s2], [sflag:$0x3], $0x1, s23, s22, $0xb8;
	[tilespmem:$0x1C500] =	vst v63  }
0x94: {  	p1 =	por p1, !p0;
	_ =	swait.ge @p0 [sflag:s6], $0x80  }
0x95: {  	s2 =	simm.s32 @!p1 $0x0;
	[sflag:s6] =	ssyncset.done @p0 $0x0  }
0x96: {  	s22 =	simm.s32 @!p1 $0x80;
	[sflag:s6] =	ssyncadd.s32 @p0 $0xFFFFFF80;
	s6 =	simm.s32 @!p1 $0x3  }
0x97: {  	[tilespmem:s22], [sflag:$0x3] =	stream.linear.gather @!p1 [hbm4b:s31+s2], $0x80, $0x38;
	[tilespmem:$0x1C500] =	vst v63  }
0x98: {  	_ =	swait.ge @!p1 [sflag:s6], $0x80  }
0x99: {  	[sflag:s6] =	ssyncset.done @!p1 $0x0  }
0x9a: {  	s25 =	simm.s32 @!p1 $0x180;
	s23 =	sadd.s32 @!p1 $0xFFFF63C0, s31;
	[sflag:s6] =	ssyncadd.s32 @!p1 $0xFFFFFF80  }
0x9b: {  	[tilespmem:s25], [sflag:$0x3] =	stream.linear.gather @!p1 [hbm4b:s23+s2], $0x80, $0x38;
	[tilespmem:$0x1C500] =	vst v63  }
0x9c: {  	_ =	swait.ge @!p1 [sflag:s6], $0x80  }
0x9d: {  	[sflag:s6] =	ssyncset.done @!p1 $0x0  }
0x9e: {  	s2 =	simm.s32 @!p1 $0x4200;
	[sflag:s6] =	ssyncadd.s32 @!p1 $0xFFFFFF80;
	s6 =	simm.s32 @!p0 $0x1  }
0x9f: {  	[tilespmem:s2], [sflag:$0x2] =	stream.indirect.gather @!p1 [hbm4b:s1+s22], $0x80, s22, s22, $0xb8;
	[tilespmem:$0x1C500] =	vst v63  }
0xa0: {  	_ =	swait.ge @!p0 [sflag:s6], $0x4000  }
0xa1: {  	s23 =	simm.s32 @!p0 $0x100;
	s2 =	simm.s32 @!p0 $0x200;
	[sflag:s6] =	ssyncset.done @!p0 $0x0  }
0xa2: {  	s22 =	simm.s32 @!p0 $0x80;
	[sflag:s6] =	ssyncadd.s32 @!p0 $0xFFFFC000;
	s6 =	simm.s32 @!p0 $0x3  }
0xa3: {  	[spmem:s3] =	stream.indirect.scatter.add.f32 @!p0 [tilespmem:s2], [sflag:$0x3], $0x80, s23, s22, $0xb8;
	[tilespmem:$0x1C500] =	vst v63  }
0xa4: {  	_ =	swait.ge @!p0 [sflag:s6], $0x4000  }
0xa5: {  	[sflag:s6] =	ssyncset.done @!p0 $0x0  }
0xa6: {  	s2 =	simm.s32 @!p0 $0x8200;
	[sflag:s6] =	ssyncadd.s32 @!p0 $0xFFFFC000  }
0xa7: {  	[spmem:s4] =	stream.indirect.scatter.add.f32 @!p0 [tilespmem:s2], [sflag:$0x3], $0x1, s23, s22, $0xb8;
	[tilespmem:$0x1C500] =	vst v63  }
0xa8: {  	p1 =	sge.u32 @!p0 s0, s7;
	_ =	swait.ge @!p0 [sflag:s6], $0x80  }
0xa9: {  	p1 =	por p1, p0;
	[sflag:s6] =	ssyncset.done @!p0 $0x0  }
0xaa: {  	s0 =	simm.s32 @!p1 $0x0;
	s2 =	simm.s32 @!p1 $0x3;
	[sflag:s6] =	ssyncadd.s32 @!p0 $0xFFFFFF80  }
0xab: {  	[tilespmem:s0], [sflag:$0x3] =	stream.linear.gather @!p1 [hbm4b:s31+s0], $0x80, $0x38;
	[tilespmem:$0x1C500] =	vst v63  }
0xac: {  	_ =	swait.ge @!p1 [sflag:s2], $0x80  }
0xad: {  	[sflag:s2] =	ssyncset.done @!p1 $0x0  }
0xae: {  	s22 =	simm.s32 @!p1 $0x100;
	s6 =	sadd.s32 @!p1 $0xFFFF63C0, s31;
	[sflag:s2] =	ssyncadd.s32 @!p1 $0xFFFFFF80  }
0xaf: {  	[tilespmem:s22], [sflag:$0x3] =	stream.linear.gather @!p1 [hbm4b:s6+s0], $0x80, $0x38;
	[tilespmem:$0x1C500] =	vst v63  }
0xb0: {  	_ =	swait.ge @!p1 [sflag:s2], $0x80  }
0xb1: {  	[sflag:s2] =	ssyncset.done @!p1 $0x0  }
0xb2: {  	s6 =	simm.s32 @!p1 $0x80;
	s22 =	simm.s32 @!p1 $0x200;
	[sflag:s2] =	ssyncadd.s32 @!p1 $0xFFFFFF80  }
0xb3: {  	[tilespmem:s22], [sflag:$0x1] =	stream.indirect.gather @!p1 [hbm4b:s1+s6], $0x80, s0, s6, $0xb8;
	[tilespmem:$0x1C500] =	vst v63  }
0xb4: {  	[bflag:$0x0] =	sbarrier.arrive $0xFFFF  }
0xb5: {  	[hbm:s15], [sflag:s9] =	dma.local [spmem:s19], $0x2800  }
0xb6: {  	_ =	swait.ge [sflag:s20], $0x2800  }
0xb7: {  	s29 =	sadd.s32 $0x1, s29;
	[sflag:s20] =	ssyncset.done $0x0  }
0xb8: {  	p0 =	sne.s32 s29, s17;
	[sflag:s20] =	ssyncadd.s32 $0xFFFFD800  }
0xb9: {  	[hbm:s16], [sflag:s9] =	dma.local [spmem:s21], $0x50  }
.Ltmp3:
0xba: {  	_ = 	snop;
	(pc) =	sbr.rel @p0 .LBB2_1-.Ltmp3, $4  }
.Ltmp4:
0xbb: {  	_ = 	snop;
	(pc) =	sbr.rel @!p0 .LBB2_6-.Ltmp4, $4  }
0xbc: {  	_ =	swait.ge [sflag:s20], $0x50  }
0xbd: {  	[sflag:s20] =	ssyncset.done $0x0  }
0xbe: {  	[sflag:s20] =	ssyncadd.s32 $0xFFFFFFB0  }
0xbf: {  	_ = 	snop  }
.LBB2_2:
.Ltmp5:
0xc0: {  	(pc) =	sbr.rel .LBB2_5-.Ltmp5, $2  }
0xc1: {  	_ =	sdelay $0x2  }
0xc2: {  	s30 =	simm.s32 $0x0;
	s31 =	smov.u32 s18  }
.LBB2_6:
0xc3: {  	_ =	sfence.sel $0x180000  }
0xc4: {  	[bflag:$0x0] =	sbarrier.arrive $0xFFFF  }
0xc5: {  	_ =	strace $0x90000047  }
0xc6: {  	s0 =	stileid.u32;
	[bflag:$0x2] =	sbarrier.arrive $0xFFFF  }
0xc7: {  	p0 =	sne.s32 s0, $0x0;
	s0 =	rddreg [dreg:$0x5]  }
0xc8: {  	s0 =	sadd.s32 @!p0 $0x100000, s0  }
0xc9: {  	[sflag:s0] =	ssyncadd.tile.s32 @!p0 $0x1;
	_ =	shalt  }
.Lfunc_end2:
_tile_overlayer_lowered:
.L_overlay_start_2:
0xca: {  	(tag) =	ssettag $0x2  }
0xcb: {  	s0 =	rddreg [dreg:$0x0];
	s2 =	stileid.u32  }
0xcc: {  	s1 =	rddreg [dreg:$0x1];
	p0 =	sne.s32 s2, $0x0  }
0xcd: {  	s3 =	rddreg [dreg:$0x2];
	[bflag:$0x3] =	sbarrier.arrive $0xFFFF;
	s2 =	simm.s32 @!p0 $0x1C03  }
0xce: {  	[timem:s3], [sflag:s2] =	dma.local @!p0 [hbm:s0], s1  }
0xcf: {  	s0 =	simm.s32 @!p0 $0x3  }
0xd0: {  	_ =	swait.ge @!p0 [sflag:s0], s1  }
0xd1: {  	s1 =	ssub.s32 @!p0 $0x0, s1;
	[sflag:s0] =	ssyncset.done @!p0 $0x0  }
0xd2: {  	[sflag:s0] =	ssyncadd.s32 @!p0 s1  }
0xd3: {  	[bflag:$0x3] =	sbarrier.arrive $0xFFFF  }
0xd4: {  	_ =	shalt  }

</sc_bundles>
